<compile_context>
chip_gen: v7x
topology: tpu7x:2x2x1
jax: 0.10.2.dev20260603
libtpu: 0.0.44.dev20260713+nightly
codegen_flags: <defaults>
</compile_context>

<pallas_src>
import functools

import jax
import jax.numpy as jnp
from jax import lax
from jax.experimental import pallas as pl
from jax.experimental.pallas import tpu as pltpu
from jax.experimental.pallas import tpu_sc as plsc

NE = 64
DM = 768
DF = 384
NT = 4096
TB = 128
MAXW = 96
NW = 32
TPW = NT // NW
RB = 1024
NRB = NT // RB
WT = 128


def _route_body(x_ref, r_ref, eid_ref, rank_ref, prob_ref,
                aoff_ref, we_ref, wxb_ref, runc_ref):
    i = pl.program_id(0)

    @pl.when(i == 0)
    def _():
        runc_ref[...] = jnp.zeros_like(runc_ref)

    xb = x_ref[0]
    logits = jnp.dot(xb, r_ref[...], preferred_element_type=jnp.float32)
    m = jnp.max(logits, axis=-1, keepdims=True)
    ssum = jnp.sum(jnp.exp(logits - m), axis=-1, keepdims=True)
    prob_ref[0] = 1.0 / ssum
    col = lax.broadcasted_iota(jnp.int32, (RB, NE), 1)
    eid = jnp.min(jnp.where(logits == m, col, NE), axis=-1)
    onehot = (col == eid[:, None]).astype(jnp.float32)
    r_iota = lax.broadcasted_iota(jnp.int32, (RB, RB), 0)
    c_iota = lax.broadcasted_iota(jnp.int32, (RB, RB), 1)
    tri = (r_iota >= c_iota).astype(jnp.float32)
    csum = jnp.dot(tri, onehot, preferred_element_type=jnp.float32)
    within = jnp.sum(csum * onehot, axis=-1) - 1.0
    runc = runc_ref[...]
    prev = jnp.sum(onehot * runc, axis=-1)
    eid_ref[0, 0] = eid
    rank_ref[0, 0] = (within + prev).astype(jnp.int32)
    runc_ref[...] = runc + jnp.sum(onehot, axis=0, keepdims=True)

    @pl.when(i == NRB - 1)
    def _():
        c = runc_ref[...]
        nb = jnp.ceil(c / TB)
        k_iota = lax.broadcasted_iota(jnp.int32, (NE, NE), 0)
        j_iota = lax.broadcasted_iota(jnp.int32, (NE, NE), 1)
        triu = (k_iota <= j_iota).astype(jnp.float32)
        bc = jnp.dot(nb, triu, preferred_element_type=jnp.float32)
        aoff_ref[...] = ((bc - nb) * TB).astype(jnp.int32)
        total = jnp.sum(nb)
        bcb = jnp.broadcast_to(bc, (WT, NE))
        irow = lax.broadcasted_iota(jnp.int32, (WT, NE), 0).astype(jnp.float32)
        wexp = jnp.sum((bcb <= irow).astype(jnp.float32), axis=-1)
        we_ref[...] = jnp.minimum(wexp, NE - 1).astype(jnp.int32)[:, None]
        irow1 = lax.broadcasted_iota(jnp.int32, (WT, 1), 0).astype(jnp.float32)
        wxb_ref[...] = jnp.minimum(irow1, total).astype(jnp.int32)


def _route(xb3, router):
    return pl.pallas_call(
        _route_body,
        grid=(NRB,),
        in_specs=[
            pl.BlockSpec((1, RB, DM), lambda i: (i, 0, 0)),
            pl.BlockSpec((DM, NE), lambda i: (0, 0)),
        ],
        out_specs=[
            pl.BlockSpec((1, 1, RB), lambda i: (i, 0, 0)),
            pl.BlockSpec((1, 1, RB), lambda i: (i, 0, 0)),
            pl.BlockSpec((1, RB, 1), lambda i: (i, 0, 0)),
            pl.BlockSpec((1, NE), lambda i: (0, 0)),
            pl.BlockSpec((WT, 1), lambda i: (0, 0)),
            pl.BlockSpec((WT, 1), lambda i: (0, 0)),
        ],
        out_shape=[
            jax.ShapeDtypeStruct((NRB, 1, RB), jnp.int32),
            jax.ShapeDtypeStruct((NRB, 1, RB), jnp.int32),
            jax.ShapeDtypeStruct((NRB, RB, 1), jnp.float32),
            jax.ShapeDtypeStruct((1, NE), jnp.int32),
            jax.ShapeDtypeStruct((WT, 1), jnp.int32),
            jax.ShapeDtypeStruct((WT, 1), jnp.int32),
        ],
        scratch_shapes=[pltpu.VMEM((1, NE), jnp.float32)],
        compiler_params=pltpu.CompilerParams(dimension_semantics=("arbitrary",)),
    )(xb3, router)


@functools.lru_cache(maxsize=None)
def _sc_mesh():
    return plsc.VectorSubcoreMesh(core_axis_name="c", subcore_axis_name="s",
                                  num_cores=2, num_subcores=16)


def _sc_scatter_body(eid_hbm, rank_hbm, aoff_hbm, x_hbm, xs_hbm, p_hbm,
                     eid_v, rank_v, off_v, p_v, rows_v, sem):
    wid = lax.axis_index("s") * 2 + lax.axis_index("c")
    base = wid * TPW
    pltpu.sync_copy(eid_hbm.at[pl.ds(base, TPW)], eid_v)
    pltpu.sync_copy(rank_hbm.at[pl.ds(base, TPW)], rank_v)
    pltpu.sync_copy(aoff_hbm, off_v)
    for j in range(TPW // 16):
        idx = eid_v[pl.ds(j * 16, 16)]
        offs = plsc.load_gather(off_v, [idx])
        p_v[pl.ds(j * 16, 16)] = offs + rank_v[pl.ds(j * 16, 16)]
    pltpu.sync_copy(x_hbm.at[pl.ds(base, TPW)], rows_v)
    pltpu.async_copy(rows_v, xs_hbm.at[p_v], sem).wait()
    pltpu.sync_copy(p_v, p_hbm.at[pl.ds(base, TPW)])


@functools.lru_cache(maxsize=None)
def _sc_scatter():
    return pl.kernel(
        _sc_scatter_body,
        out_type=(
            jax.ShapeDtypeStruct((MAXW * TB, DM), jnp.float32),
            jax.ShapeDtypeStruct((NT,), jnp.int32),
        ),
        mesh=_sc_mesh(),
        scratch_types=[
            pltpu.VMEM((TPW,), jnp.int32),
            pltpu.VMEM((TPW,), jnp.int32),
            pltpu.VMEM((NE,), jnp.int32),
            pltpu.VMEM((TPW,), jnp.int32),
            pltpu.VMEM((TPW, DM), jnp.float32),
            pltpu.SemaphoreType.DMA,
        ],
        compiler_params=pltpu.CompilerParams(needs_layout_passes=False),
    )


def _ffn_body(we_ref, wxb_ref, x_ref, g_ref, u_ref, d_ref, o_ref):
    del we_ref
    i = pl.program_id(0)

    @pl.when(wxb_ref[i] == i)
    def _():
        xb = x_ref[...]
        g = jnp.dot(xb, g_ref[0], preferred_element_type=jnp.float32)
        u = jnp.dot(xb, u_ref[0], preferred_element_type=jnp.float32)
        h = g * jax.nn.sigmoid(g) * u
        o_ref[...] = jnp.dot(h, d_ref[0], preferred_element_type=jnp.float32)


def _ffn(we, wxb, xs, eg, eu, ed):
    grid_spec = pltpu.PrefetchScalarGridSpec(
        num_scalar_prefetch=2,
        grid=(MAXW,),
        in_specs=[
            pl.BlockSpec((TB, DM), lambda i, we, wxb: (wxb[i], 0)),
            pl.BlockSpec((1, DM, DF), lambda i, we, wxb: (we[i], 0, 0)),
            pl.BlockSpec((1, DM, DF), lambda i, we, wxb: (we[i], 0, 0)),
            pl.BlockSpec((1, DF, DM), lambda i, we, wxb: (we[i], 0, 0)),
        ],
        out_specs=pl.BlockSpec((TB, DM), lambda i, we, wxb: (wxb[i], 0)),
    )
    return pl.pallas_call(
        _ffn_body,
        grid_spec=grid_spec,
        out_shape=jax.ShapeDtypeStruct((MAXW * TB, DM), jnp.float32),
        compiler_params=pltpu.CompilerParams(dimension_semantics=("arbitrary",)),
    )(we, wxb, xs, eg, eu, ed)


def _sc_gather_body(p_hbm, os_hbm, out_hbm, p_v, rows_v, sem):
    wid = lax.axis_index("s") * 2 + lax.axis_index("c")
    base = wid * TPW
    pltpu.sync_copy(p_hbm.at[pl.ds(base, TPW)], p_v)
    pltpu.async_copy(os_hbm.at[p_v], rows_v, sem).wait()
    pltpu.sync_copy(rows_v, out_hbm.at[pl.ds(base, TPW)])


@functools.lru_cache(maxsize=None)
def _sc_gather():
    return pl.kernel(
        _sc_gather_body,
        out_type=jax.ShapeDtypeStruct((NT, DM), jnp.float32),
        mesh=_sc_mesh(),
        scratch_types=[
            pltpu.VMEM((TPW,), jnp.int32),
            pltpu.VMEM((TPW, DM), jnp.float32),
            pltpu.SemaphoreType.DMA,
        ],
    )


def _combine_body(x_ref, rt_ref, pr_ref, sg_ref, su_ref, sd_ref, o_ref):
    xb = x_ref[0].astype(jnp.bfloat16)
    g = jnp.dot(xb, sg_ref[...], preferred_element_type=jnp.float32)
    u = jnp.dot(xb, su_ref[...], preferred_element_type=jnp.float32)
    sh = jnp.dot((g * jax.nn.sigmoid(g) * u).astype(jnp.bfloat16), sd_ref[...],
                 preferred_element_type=jnp.float32)
    o_ref[0] = sh + rt_ref[0] * pr_ref[0]


def _combine(xb3, rt3, prob3, sg, su, sd):
    return pl.pallas_call(
        _combine_body,
        grid=(NRB,),
        in_specs=[
            pl.BlockSpec((1, RB, DM), lambda i: (i, 0, 0)),
            pl.BlockSpec((1, RB, DM), lambda i: (i, 0, 0)),
            pl.BlockSpec((1, RB, 1), lambda i: (i, 0, 0)),
            pl.BlockSpec((DM, DF), lambda i: (0, 0)),
            pl.BlockSpec((DM, DF), lambda i: (0, 0)),
            pl.BlockSpec((DF, DM), lambda i: (0, 0)),
        ],
        out_specs=pl.BlockSpec((1, RB, DM), lambda i: (i, 0, 0)),
        out_shape=jax.ShapeDtypeStruct((NRB, RB, DM), jnp.float32),
        compiler_params=pltpu.CompilerParams(dimension_semantics=("arbitrary",)),
    )(xb3, rt3, prob3, sg, su, sd)


def kernel(x, router, experts_gate, experts_up, experts_down,
           shared_gate, shared_up, shared_down):
    batch, seq, _ = x.shape
    xf = x.reshape(NT, DM)
    xb3 = xf.reshape(NRB, RB, DM)
    eid3, rank3, prob3, aoff, we2, wxb2 = _route(xb3, router)
    we = we2.reshape(WT)[:MAXW]
    wxb = wxb2.reshape(WT)[:MAXW]
    xs, p = _sc_scatter()(eid3.reshape(NT), rank3.reshape(NT),
                          aoff.reshape(NE), xf)
    os_ = _ffn(we, wxb, xs, experts_gate, experts_up, experts_down)
    routed = _sc_gather()(p, os_)
    out = _combine(xb3, routed.reshape(NRB, RB, DM), prob3,
                   shared_gate.astype(jnp.bfloat16),
                   shared_up.astype(jnp.bfloat16),
                   shared_down.astype(jnp.bfloat16))
    return out.reshape(batch, seq, DM)

# --- scband reference (transcript-rebuilt; emitter-appended) ---
"""Pipeline reference for scband-jitoptimized-moe-67242007986682 (READ-ONLY COPY).

The authoritative reference and input builder live on the scoring server;
editing this copy changes nothing except your own understanding.
"""

import jax, jax.numpy as jnp
import numpy as np

E = 64
TOP_K = 1
D_MODEL = 768
D_FF = 384
B, S = 2, 2048


def setup_inputs(seed: int = 0) -> dict:
    key = jax.random.key(seed)
    ks = jax.random.split(key, 8)
    x = jax.random.normal(ks[0], (B, S, D_MODEL), dtype=jnp.float32)
    router = jax.random.normal(ks[1], (D_MODEL, E), dtype=jnp.float32) * 0.02
    experts_gate = jax.random.normal(ks[2], (E, D_MODEL, D_FF), dtype=jnp.float32) * 0.02
    experts_up = jax.random.normal(ks[3], (E, D_MODEL, D_FF), dtype=jnp.float32) * 0.02
    experts_down = jax.random.normal(ks[4], (E, D_FF, D_MODEL), dtype=jnp.float32) * 0.02
    shared_gate = jax.random.normal(ks[5], (D_MODEL, D_FF), dtype=jnp.float32) * 0.02
    shared_up = jax.random.normal(ks[6], (D_MODEL, D_FF), dtype=jnp.float32) * 0.02
    shared_down = jax.random.normal(ks[7], (D_FF, D_MODEL), dtype=jnp.float32) * 0.02
    return {
        "x": x,
        "router": router,
        "experts_gate": experts_gate,
        "experts_up": experts_up,
        "experts_down": experts_down,
        "shared_gate": shared_gate,
        "shared_up": shared_up,
        "shared_down": shared_down,
    }


def reference(x, router, experts_gate, experts_up, experts_down, shared_gate, shared_up, shared_down):
    batch, seq, hid = x.shape
    total_tokens = batch * seq
    # shared expert path
    shared_gate_act = jax.nn.silu(x @ shared_gate)
    shared_up_p = x @ shared_up
    # router
    router_logits = x @ router
    router_probs = jax.nn.softmax(router_logits, axis=-1)
    topk_probs, topk_idx = jax.lax.top_k(router_probs, TOP_K)
    shared_output = (shared_gate_act * shared_up_p) @ shared_down
    x_flat = x.reshape(total_tokens, hid)
    flat_topk_idx = topk_idx.reshape(-1)
    flat_topk_probs = topk_probs.reshape(-1, 1)
    num_experts = experts_gate.shape[0]

    def expert_step(routed, inputs):
        e, gate_w, up_w, down_w = inputs
        mask = (flat_topk_idx == e).astype(x_flat.dtype)[:, None]
        intermediate = jax.nn.silu(x_flat @ gate_w) * (x_flat @ up_w)
        expert_output = (intermediate @ down_w) * flat_topk_probs
        routed = routed + expert_output * mask
        return routed, None

    routed = jnp.zeros_like(x_flat)
    routed, _ = jax.lax.scan(
        expert_step,
        routed,
        (jnp.arange(num_experts, dtype=flat_topk_idx.dtype), experts_gate, experts_up, experts_down),
    )
    return routed.reshape(batch, seq, hid) + shared_output

if __name__ == "__main__":
    import jax
    _d = setup_inputs()
    print(jax.jit(kernel)(*tuple(_d.values())))

</pallas_src>

<mosaic_0001>
#map = affine_map<(d0, d1) -> (0)>
#map1 = affine_map<(d0, d1) -> (0, 0)>
module attributes {stable_mosaic.version = 14 : i64} {
  func.func @_sc_gather_body(%arg0: i32, %arg1: i32, %arg2: memref<4096xi32, #tpu.memory_space<hbm>>, %arg3: memref<12288x768xf32, #tpu.memory_space<hbm>>, %arg4: memref<4096x768xf32, #tpu.memory_space<hbm>>, %arg5: memref<128xi32, #tpu.memory_space<vmem>>, %arg6: memref<128x768xf32, #tpu.memory_space<vmem>>, %arg7: memref<!tpu.dma_semaphore, #tpu.memory_space<semaphore_mem>>) attributes {dimension_semantics = [#tpu.dimension_semantics<core_parallel>, #tpu.dimension_semantics<subcore_parallel>], iteration_bounds = array<i64: 2, 16>, scalar_prefetch = 0 : i64, scratch_operands = 3 : i64, tpu.core_type = #tpu.core_type<sc_vector_subcore>, window_params = [{transform_indices = #map}, {transform_indices = #map1}, {transform_indices = #map1}]} {
    %mul3A = arith.constant 2 : i32
    %mul3A_0 = arith.muli %arg1, %mul3A : i32
    %add3A = arith.addi %mul3A_0, %arg0 : i32
    %mul3A_1 = arith.constant 128 : i32
    %mul3A_2 = arith.muli %add3A, %mul3A_1 : i32
    "tpu.region"() ({
      %run_scoped3A = tpu.sem_alloc : memref<!tpu.dma_semaphore, #tpu.memory_space<semaphore_mem>>
      %dma_start3A_7 = tpu.memref_slice %arg2[%mul3A_2] : memref<4096xi32, #tpu.memory_space<hbm>> -> memref<128xi32, #tpu.memory_space<hbm>>
      %dma_start3A_8 = tpu.memref_slice %arg2[%mul3A_2] : memref<4096xi32, #tpu.memory_space<hbm>> -> memref<128xi32, #tpu.memory_space<hbm>>
      tpu.enqueue_dma source(%dma_start3A_8 : memref<128xi32, #tpu.memory_space<hbm>>) target(%arg5 : memref<128xi32, #tpu.memory_space<vmem>>) target_semaphore(%run_scoped3A : memref<!tpu.dma_semaphore, #tpu.memory_space<semaphore_mem>>)
      %dma_wait3A_9 = tpu.memref_slice %arg2[%mul3A_2] : memref<4096xi32, #tpu.memory_space<hbm>> -> memref<128xi32, #tpu.memory_space<hbm>>
      %dma_wait3A_10 = tpu.memref_slice %arg2[%mul3A_2] : memref<4096xi32, #tpu.memory_space<hbm>> -> memref<128xi32, #tpu.memory_space<hbm>>
      tpu.wait_dma2 semaphore(%run_scoped3A : memref<!tpu.dma_semaphore, #tpu.memory_space<semaphore_mem>>) src(%dma_wait3A_10 : memref<128xi32, #tpu.memory_space<hbm>>) dst(%arg5 : memref<128xi32, #tpu.memory_space<vmem>>)
      tpu.yield
    }) : () -> ()
    %dma_start3A = arith.constant 0 : i32
    %dma_start3A_3 = arith.constant 0 : i32
    %dma_start3A_4 = tpu.memref_slice %arg3[%dma_start3A, %dma_start3A_3] : memref<12288x768xf32, #tpu.memory_space<hbm>> -> memref<12288x768xf32, #tpu.memory_space<hbm>>
    tpu.enqueue_indirect_dma source(%dma_start3A_4 : memref<12288x768xf32, #tpu.memory_space<hbm>>) target(%arg6 : memref<128x768xf32, #tpu.memory_space<vmem>>) offsets(%arg5 : memref<128xi32, #tpu.memory_space<vmem>>) semaphore(%arg7 : memref<!tpu.dma_semaphore, #tpu.memory_space<semaphore_mem>>)
    %dma_wait3A = arith.constant 0 : i32
    %dma_wait3A_5 = arith.constant 0 : i32
    %dma_wait3A_6 = tpu.memref_slice %arg3[%dma_wait3A, %dma_wait3A_5] : memref<12288x768xf32, #tpu.memory_space<hbm>> -> memref<12288x768xf32, #tpu.memory_space<hbm>>
    tpu.wait_indirect_dma semaphore(%arg7 : memref<!tpu.dma_semaphore, #tpu.memory_space<semaphore_mem>>) src(%dma_wait3A_6 : memref<12288x768xf32, #tpu.memory_space<hbm>>) dst(%arg6 : memref<128x768xf32, #tpu.memory_space<vmem>>)
    "tpu.region"() ({
      %run_scoped3A = tpu.sem_alloc : memref<!tpu.dma_semaphore, #tpu.memory_space<semaphore_mem>>
      %dma_start3A_7 = arith.constant 0 : i32
      %dma_start3A_8 = tpu.memref_slice %arg4[%mul3A_2, %dma_start3A_7] : memref<4096x768xf32, #tpu.memory_space<hbm>> -> memref<128x768xf32, #tpu.memory_space<hbm>>
      %dma_start3A_9 = arith.constant 0 : i32
      %dma_start3A_10 = tpu.memref_slice %arg4[%mul3A_2, %dma_start3A_9] : memref<4096x768xf32, #tpu.memory_space<hbm>> -> memref<128x768xf32, #tpu.memory_space<hbm>>
      tpu.enqueue_dma source(%arg6 : memref<128x768xf32, #tpu.memory_space<vmem>>) target(%dma_start3A_10 : memref<128x768xf32, #tpu.memory_space<hbm>>) target_semaphore(%run_scoped3A : memref<!tpu.dma_semaphore, #tpu.memory_space<semaphore_mem>>)
      %dma_wait3A_11 = arith.constant 0 : i32
      %dma_wait3A_12 = tpu.memref_slice %arg4[%mul3A_2, %dma_wait3A_11] : memref<4096x768xf32, #tpu.memory_space<hbm>> -> memref<128x768xf32, #tpu.memory_space<hbm>>
      %dma_wait3A_13 = arith.constant 0 : i32
      %dma_wait3A_14 = tpu.memref_slice %arg4[%mul3A_2, %dma_wait3A_13] : memref<4096x768xf32, #tpu.memory_space<hbm>> -> memref<128x768xf32, #tpu.memory_space<hbm>>
      tpu.wait_dma2 semaphore(%run_scoped3A : memref<!tpu.dma_semaphore, #tpu.memory_space<semaphore_mem>>) src(%arg6 : memref<128x768xf32, #tpu.memory_space<vmem>>) dst(%dma_wait3A_14 : memref<128x768xf32, #tpu.memory_space<hbm>>)
      tpu.yield
    }) : () -> ()
    return
  }
}

#map = affine_map<(d0, d1) -> (0)>
#map1 = affine_map<(d0, d1) -> (0, 0)>
module attributes {stable_mosaic.version = 14 : i64} {
  func.func @_sc_scatter_body(%arg0: i32, %arg1: i32, %arg2: memref<4096xi32, #tpu.memory_space<hbm>>, %arg3: memref<4096xi32, #tpu.memory_space<hbm>>, %arg4: memref<64xi32, #tpu.memory_space<hbm>>, %arg5: memref<4096x768xf32, #tpu.memory_space<hbm>>, %arg6: memref<12288x768xf32, #tpu.memory_space<hbm>>, %arg7: memref<4096xi32, #tpu.memory_space<hbm>>, %arg8: memref<128xi32, #tpu.memory_space<vmem>>, %arg9: memref<128xi32, #tpu.memory_space<vmem>>, %arg10: memref<64xi32, #tpu.memory_space<vmem>>, %arg11: memref<128xi32, #tpu.memory_space<vmem>>, %arg12: memref<128x768xf32, #tpu.memory_space<vmem>>, %arg13: memref<!tpu.dma_semaphore, #tpu.memory_space<semaphore_mem>>) attributes {dimension_semantics = [#tpu.dimension_semantics<core_parallel>, #tpu.dimension_semantics<subcore_parallel>], iteration_bounds = array<i64: 2, 16>, scalar_prefetch = 0 : i64, scratch_operands = 6 : i64, tpu.core_type = #tpu.core_type<sc_vector_subcore>, window_params = [{transform_indices = #map}, {transform_indices = #map}, {transform_indices = #map}, {transform_indices = #map1}, {transform_indices = #map1}, {transform_indices = #map}]} {
    %mul3A = arith.constant 2 : i32
    %mul3A_0 = arith.muli %arg1, %mul3A : i32
    %add3A = arith.addi %mul3A_0, %arg0 : i32
    %mul3A_1 = arith.constant 128 : i32
    %mul3A_2 = arith.muli %add3A, %mul3A_1 : i32
    "tpu.region"() ({
      %run_scoped3A = tpu.sem_alloc : memref<!tpu.dma_semaphore, #tpu.memory_space<semaphore_mem>>
      %dma_start3A_68 = tpu.memref_slice %arg2[%mul3A_2] : memref<4096xi32, #tpu.memory_space<hbm>> -> memref<128xi32, #tpu.memory_space<hbm>>
      %dma_start3A_69 = tpu.memref_slice %arg2[%mul3A_2] : memref<4096xi32, #tpu.memory_space<hbm>> -> memref<128xi32, #tpu.memory_space<hbm>>
      tpu.enqueue_dma source(%dma_start3A_69 : memref<128xi32, #tpu.memory_space<hbm>>) target(%arg8 : memref<128xi32, #tpu.memory_space<vmem>>) target_semaphore(%run_scoped3A : memref<!tpu.dma_semaphore, #tpu.memory_space<semaphore_mem>>)
      %dma_wait3A_70 = tpu.memref_slice %arg2[%mul3A_2] : memref<4096xi32, #tpu.memory_space<hbm>> -> memref<128xi32, #tpu.memory_space<hbm>>
      %dma_wait3A_71 = tpu.memref_slice %arg2[%mul3A_2] : memref<4096xi32, #tpu.memory_space<hbm>> -> memref<128xi32, #tpu.memory_space<hbm>>
      tpu.wait_dma2 semaphore(%run_scoped3A : memref<!tpu.dma_semaphore, #tpu.memory_space<semaphore_mem>>) src(%dma_wait3A_71 : memref<128xi32, #tpu.memory_space<hbm>>) dst(%arg8 : memref<128xi32, #tpu.memory_space<vmem>>)
      tpu.yield
    }) : () -> ()
    "tpu.region"() ({
      %run_scoped3A = tpu.sem_alloc : memref<!tpu.dma_semaphore, #tpu.memory_space<semaphore_mem>>
      %dma_start3A_68 = tpu.memref_slice %arg3[%mul3A_2] : memref<4096xi32, #tpu.memory_space<hbm>> -> memref<128xi32, #tpu.memory_space<hbm>>
      %dma_start3A_69 = tpu.memref_slice %arg3[%mul3A_2] : memref<4096xi32, #tpu.memory_space<hbm>> -> memref<128xi32, #tpu.memory_space<hbm>>
      tpu.enqueue_dma source(%dma_start3A_69 : memref<128xi32, #tpu.memory_space<hbm>>) target(%arg9 : memref<128xi32, #tpu.memory_space<vmem>>) target_semaphore(%run_scoped3A : memref<!tpu.dma_semaphore, #tpu.memory_space<semaphore_mem>>)
      %dma_wait3A_70 = tpu.memref_slice %arg3[%mul3A_2] : memref<4096xi32, #tpu.memory_space<hbm>> -> memref<128xi32, #tpu.memory_space<hbm>>
      %dma_wait3A_71 = tpu.memref_slice %arg3[%mul3A_2] : memref<4096xi32, #tpu.memory_space<hbm>> -> memref<128xi32, #tpu.memory_space<hbm>>
      tpu.wait_dma2 semaphore(%run_scoped3A : memref<!tpu.dma_semaphore, #tpu.memory_space<semaphore_mem>>) src(%dma_wait3A_71 : memref<128xi32, #tpu.memory_space<hbm>>) dst(%arg9 : memref<128xi32, #tpu.memory_space<vmem>>)
      tpu.yield
    }) : () -> ()
    "tpu.region"() ({
      %run_scoped3A = tpu.sem_alloc : memref<!tpu.dma_semaphore, #tpu.memory_space<semaphore_mem>>
      tpu.enqueue_dma source(%arg4 : memref<64xi32, #tpu.memory_space<hbm>>) target(%arg10 : memref<64xi32, #tpu.memory_space<vmem>>) target_semaphore(%run_scoped3A : memref<!tpu.dma_semaphore, #tpu.memory_space<semaphore_mem>>)
      tpu.wait_dma2 semaphore(%run_scoped3A : memref<!tpu.dma_semaphore, #tpu.memory_space<semaphore_mem>>) src(%arg4 : memref<64xi32, #tpu.memory_space<hbm>>) dst(%arg10 : memref<64xi32, #tpu.memory_space<vmem>>)
      tpu.yield
    }) : () -> ()
    %get3A = arith.constant 0 : index
    %get3A_3 = tpu.vector_load %arg8[%get3A] {strides = array<i32>} : memref<128xi32, #tpu.memory_space<vmem>>, vector<16xi32>,
    %gather3A = tpu.vector_load_idx %arg10[%get3A_3] : memref<64xi32, #tpu.memory_space<vmem>>[vector<16xi32>], vector<16xi32>,
    %get3A_4 = arith.constant 0 : index
    %get3A_5 = tpu.vector_load %arg9[%get3A_4] {strides = array<i32>} : memref<128xi32, #tpu.memory_space<vmem>>, vector<16xi32>,
    %add3A_6 = arith.addi %gather3A, %get3A_5 : vector<16xi32>
    %swap3A = arith.constant 0 : index
    %swap3A_7 = tpu.vector_load %arg11[%swap3A] {strides = array<i32>} : memref<128xi32, #tpu.memory_space<vmem>>, vector<16xi32>,
    tpu.vector_store %arg11[%swap3A], %add3A_6 {strides = array<i32>} : memref<128xi32, #tpu.memory_space<vmem>>, vector<16xi32>,
    %get3A_8 = arith.constant 16 : index
    %get3A_9 = tpu.vector_load %arg8[%get3A_8] {strides = array<i32>} : memref<128xi32, #tpu.memory_space<vmem>>, vector<16xi32>,
    %gather3A_10 = tpu.vector_load_idx %arg10[%get3A_9] : memref<64xi32, #tpu.memory_space<vmem>>[vector<16xi32>], vector<16xi32>,
    %get3A_11 = arith.constant 16 : index
    %get3A_12 = tpu.vector_load %arg9[%get3A_11] {strides = array<i32>} : memref<128xi32, #tpu.memory_space<vmem>>, vector<16xi32>,
    %add3A_13 = arith.addi %gather3A_10, %get3A_12 : vector<16xi32>
    %swap3A_14 = arith.constant 16 : index
    %swap3A_15 = tpu.vector_load %arg11[%swap3A_14] {strides = array<i32>} : memref<128xi32, #tpu.memory_space<vmem>>, vector<16xi32>,
    tpu.vector_store %arg11[%swap3A_14], %add3A_13 {strides = array<i32>} : memref<128xi32, #tpu.memory_space<vmem>>, vector<16xi32>,
    %get3A_16 = arith.constant 32 : index
    %get3A_17 = tpu.vector_load %arg8[%get3A_16] {strides = array<i32>} : memref<128xi32, #tpu.memory_space<vmem>>, vector<16xi32>,
    %gather3A_18 = tpu.vector_load_idx %arg10[%get3A_17] : memref<64xi32, #tpu.memory_space<vmem>>[vector<16xi32>], vector<16xi32>,
    %get3A_19 = arith.constant 32 : index
    %get3A_20 = tpu.vector_load %arg9[%get3A_19] {strides = array<i32>} : memref<128xi32, #tpu.memory_space<vmem>>, vector<16xi32>,
    %add3A_21 = arith.addi %gather3A_18, %get3A_20 : vector<16xi32>
    %swap3A_22 = arith.constant 32 : index
    %swap3A_23 = tpu.vector_load %arg11[%swap3A_22] {strides = array<i32>} : memref<128xi32, #tpu.memory_space<vmem>>, vector<16xi32>,
    tpu.vector_store %arg11[%swap3A_22], %add3A_21 {strides = array<i32>} : memref<128xi32, #tpu.memory_space<vmem>>, vector<16xi32>,
    %get3A_24 = arith.constant 48 : index
    %get3A_25 = tpu.vector_load %arg8[%get3A_24] {strides = array<i32>} : memref<128xi32, #tpu.memory_space<vmem>>, vector<16xi32>,
    %gather3A_26 = tpu.vector_load_idx %arg10[%get3A_25] : memref<64xi32, #tpu.memory_space<vmem>>[vector<16xi32>], vector<16xi32>,
    %get3A_27 = arith.constant 48 : index
    %get3A_28 = tpu.vector_load %arg9[%get3A_27] {strides = array<i32>} : memref<128xi32, #tpu.memory_space<vmem>>, vector<16xi32>,
    %add3A_29 = arith.addi %gather3A_26, %get3A_28 : vector<16xi32>
    %swap3A_30 = arith.constant 48 : index
    %swap3A_31 = tpu.vector_load %arg11[%swap3A_30] {strides = array<i32>} : memref<128xi32, #tpu.memory_space<vmem>>, vector<16xi32>,
    tpu.vector_store %arg11[%swap3A_30], %add3A_29 {strides = array<i32>} : memref<128xi32, #tpu.memory_space<vmem>>, vector<16xi32>,
    %get3A_32 = arith.constant 64 : index
    %get3A_33 = tpu.vector_load %arg8[%get3A_32] {strides = array<i32>} : memref<128xi32, #tpu.memory_space<vmem>>, vector<16xi32>,
    %gather3A_34 = tpu.vector_load_idx %arg10[%get3A_33] : memref<64xi32, #tpu.memory_space<vmem>>[vector<16xi32>], vector<16xi32>,
    %get3A_35 = arith.constant 64 : index
    %get3A_36 = tpu.vector_load %arg9[%get3A_35] {strides = array<i32>} : memref<128xi32, #tpu.memory_space<vmem>>, vector<16xi32>,
    %add3A_37 = arith.addi %gather3A_34, %get3A_36 : vector<16xi32>
    %swap3A_38 = arith.constant 64 : index
    %swap3A_39 = tpu.vector_load %arg11[%swap3A_38] {strides = array<i32>} : memref<128xi32, #tpu.memory_space<vmem>>, vector<16xi32>,
    tpu.vector_store %arg11[%swap3A_38], %add3A_37 {strides = array<i32>} : memref<128xi32, #tpu.memory_space<vmem>>, vector<16xi32>,
    %get3A_40 = arith.constant 80 : index
    %get3A_41 = tpu.vector_load %arg8[%get3A_40] {strides = array<i32>} : memref<128xi32, #tpu.memory_space<vmem>>, vector<16xi32>,
    %gather3A_42 = tpu.vector_load_idx %arg10[%get3A_41] : memref<64xi32, #tpu.memory_space<vmem>>[vector<16xi32>], vector<16xi32>,
    %get3A_43 = arith.constant 80 : index
    %get3A_44 = tpu.vector_load %arg9[%get3A_43] {strides = array<i32>} : memref<128xi32, #tpu.memory_space<vmem>>, vector<16xi32>,
    %add3A_45 = arith.addi %gather3A_42, %get3A_44 : vector<16xi32>
    %swap3A_46 = arith.constant 80 : index
    %swap3A_47 = tpu.vector_load %arg11[%swap3A_46] {strides = array<i32>} : memref<128xi32, #tpu.memory_space<vmem>>, vector<16xi32>,
    tpu.vector_store %arg11[%swap3A_46], %add3A_45 {strides = array<i32>} : memref<128xi32, #tpu.memory_space<vmem>>, vector<16xi32>,
    %get3A_48 = arith.constant 96 : index
    %get3A_49 = tpu.vector_load %arg8[%get3A_48] {strides = array<i32>} : memref<128xi32, #tpu.memory_space<vmem>>, vector<16xi32>,
    %gather3A_50 = tpu.vector_load_idx %arg10[%get3A_49] : memref<64xi32, #tpu.memory_space<vmem>>[vector<16xi32>], vector<16xi32>,
    %get3A_51 = arith.constant 96 : index
    %get3A_52 = tpu.vector_load %arg9[%get3A_51] {strides = array<i32>} : memref<128xi32, #tpu.memory_space<vmem>>, vector<16xi32>,
    %add3A_53 = arith.addi %gather3A_50, %get3A_52 : vector<16xi32>
    %swap3A_54 = arith.constant 96 : index
    %swap3A_55 = tpu.vector_load %arg11[%swap3A_54] {strides = array<i32>} : memref<128xi32, #tpu.memory_space<vmem>>, vector<16xi32>,
    tpu.vector_store %arg11[%swap3A_54], %add3A_53 {strides = array<i32>} : memref<128xi32, #tpu.memory_space<vmem>>, vector<16xi32>,
    %get3A_56 = arith.constant 112 : index
    %get3A_57 = tpu.vector_load %arg8[%get3A_56] {strides = array<i32>} : memref<128xi32, #tpu.memory_space<vmem>>, vector<16xi32>,
    %gather3A_58 = tpu.vector_load_idx %arg10[%get3A_57] : memref<64xi32, #tpu.memory_space<vmem>>[vector<16xi32>], vector<16xi32>,
    %get3A_59 = arith.constant 112 : index
    %get3A_60 = tpu.vector_load %arg9[%get3A_59] {strides = array<i32>} : memref<128xi32, #tpu.memory_space<vmem>>, vector<16xi32>,
    %add3A_61 = arith.addi %gather3A_58, %get3A_60 : vector<16xi32>
    %swap3A_62 = arith.constant 112 : index
    %swap3A_63 = tpu.vector_load %arg11[%swap3A_62] {strides = array<i32>} : memref<128xi32, #tpu.memory_space<vmem>>, vector<16xi32>,
    tpu.vector_store %arg11[%swap3A_62], %add3A_61 {strides = array<i32>} : memref<128xi32, #tpu.memory_space<vmem>>, vector<16xi32>,
    "tpu.region"() ({
      %run_scoped3A = tpu.sem_alloc : memref<!tpu.dma_semaphore, #tpu.memory_space<semaphore_mem>>
      %dma_start3A_68 = arith.constant 0 : i32
      %dma_start3A_69 = tpu.memref_slice %arg5[%mul3A_2, %dma_start3A_68] : memref<4096x768xf32, #tpu.memory_space<hbm>> -> memref<128x768xf32, #tpu.memory_space<hbm>>
      %dma_start3A_70 = arith.constant 0 : i32
      %dma_start3A_71 = tpu.memref_slice %arg5[%mul3A_2, %dma_start3A_70] : memref<4096x768xf32, #tpu.memory_space<hbm>> -> memref<128x768xf32, #tpu.memory_space<hbm>>
      tpu.enqueue_dma source(%dma_start3A_71 : memref<128x768xf32, #tpu.memory_space<hbm>>) target(%arg12 : memref<128x768xf32, #tpu.memory_space<vmem>>) target_semaphore(%run_scoped3A : memref<!tpu.dma_semaphore, #tpu.memory_space<semaphore_mem>>)
      %dma_wait3A_72 = arith.constant 0 : i32
      %dma_wait3A_73 = tpu.memref_slice %arg5[%mul3A_2, %dma_wait3A_72] : memref<4096x768xf32, #tpu.memory_space<hbm>> -> memref<128x768xf32, #tpu.memory_space<hbm>>
      %dma_wait3A_74 = arith.constant 0 : i32
      %dma_wait3A_75 = tpu.memref_slice %arg5[%mul3A_2, %dma_wait3A_74] : memref<4096x768xf32, #tpu.memory_space<hbm>> -> memref<128x768xf32, #tpu.memory_space<hbm>>
      tpu.wait_dma2 semaphore(%run_scoped3A : memref<!tpu.dma_semaphore, #tpu.memory_space<semaphore_mem>>) src(%dma_wait3A_75 : memref<128x768xf32, #tpu.memory_space<hbm>>) dst(%arg12 : memref<128x768xf32, #tpu.memory_space<vmem>>)
      tpu.yield
    }) : () -> ()
    %dma_start3A = arith.constant 0 : i32
    %dma_start3A_64 = arith.constant 0 : i32
    %dma_start3A_65 = tpu.memref_slice %arg6[%dma_start3A, %dma_start3A_64] : memref<12288x768xf32, #tpu.memory_space<hbm>> -> memref<12288x768xf32, #tpu.memory_space<hbm>>
    tpu.enqueue_indirect_dma source(%arg12 : memref<128x768xf32, #tpu.memory_space<vmem>>) target(%dma_start3A_65 : memref<12288x768xf32, #tpu.memory_space<hbm>>) offsets(%arg11 : memref<128xi32, #tpu.memory_space<vmem>>) semaphore(%arg13 : memref<!tpu.dma_semaphore, #tpu.memory_space<semaphore_mem>>)
    %dma_wait3A = arith.constant 0 : i32
    %dma_wait3A_66 = arith.constant 0 : i32
    %dma_wait3A_67 = tpu.memref_slice %arg6[%dma_wait3A, %dma_wait3A_66] : memref<12288x768xf32, #tpu.memory_space<hbm>> -> memref<12288x768xf32, #tpu.memory_space<hbm>>
    tpu.wait_indirect_dma semaphore(%arg13 : memref<!tpu.dma_semaphore, #tpu.memory_space<semaphore_mem>>) src(%arg12 : memref<128x768xf32, #tpu.memory_space<vmem>>) dst(%dma_wait3A_67 : memref<12288x768xf32, #tpu.memory_space<hbm>>)
    "tpu.region"() ({
      %run_scoped3A = tpu.sem_alloc : memref<!tpu.dma_semaphore, #tpu.memory_space<semaphore_mem>>
      %dma_start3A_68 = tpu.memref_slice %arg7[%mul3A_2] : memref<4096xi32, #tpu.memory_space<hbm>> -> memref<128xi32, #tpu.memory_space<hbm>>
      %dma_start3A_69 = tpu.memref_slice %arg7[%mul3A_2] : memref<4096xi32, #tpu.memory_space<hbm>> -> memref<128xi32, #tpu.memory_space<hbm>>
      tpu.enqueue_dma source(%arg11 : memref<128xi32, #tpu.memory_space<vmem>>) target(%dma_start3A_69 : memref<128xi32, #tpu.memory_space<hbm>>) target_semaphore(%run_scoped3A : memref<!tpu.dma_semaphore, #tpu.memory_space<semaphore_mem>>)
      %dma_wait3A_70 = tpu.memref_slice %arg7[%mul3A_2] : memref<4096xi32, #tpu.memory_space<hbm>> -> memref<128xi32, #tpu.memory_space<hbm>>
      %dma_wait3A_71 = tpu.memref_slice %arg7[%mul3A_2] : memref<4096xi32, #tpu.memory_space<hbm>> -> memref<128xi32, #tpu.memory_space<hbm>>
      tpu.wait_dma2 semaphore(%run_scoped3A : memref<!tpu.dma_semaphore, #tpu.memory_space<semaphore_mem>>) src(%arg11 : memref<128xi32, #tpu.memory_space<vmem>>) dst(%dma_wait3A_71 : memref<128xi32, #tpu.memory_space<hbm>>)
      tpu.yield
    }) : () -> ()
    return
  }
}

module attributes {stable_mosaic.version = 14 : i64} {
  func.func @_ffn_body(%arg0: i32, %arg1: memref<96xi32, #tpu.memory_space<smem>>, %arg2: memref<96xi32, #tpu.memory_space<smem>>, %arg3: memref<128x768xf32, #tpu.memory_space<vmem>>, %arg4: memref<1x768x384xf32, #tpu.memory_space<vmem>>, %arg5: memref<1x768x384xf32, #tpu.memory_space<vmem>>, %arg6: memref<1x384x768xf32, #tpu.memory_space<vmem>>, %arg7: memref<128x768xf32, #tpu.memory_space<vmem>>) attributes {dimension_semantics = [#tpu.dimension_semantics<arbitrary>], iteration_bounds = array<i64: 96>, scalar_prefetch = 2 : i64, scratch_operands = 0 : i64, tpu.core_type = #tpu.core_type<tc>, window_params = [{transform_indices = @transform_0, window_bounds = array<i64: 128, 768>}, {transform_indices = @transform_1, window_bounds = array<i64: 1, 768, 384>}, {transform_indices = @transform_2, window_bounds = array<i64: 1, 768, 384>}, {transform_indices = @transform_3, window_bounds = array<i64: 1, 384, 768>}, {transform_indices = @transform_4, window_bounds = array<i64: 128, 768>}]} {
    %get3A = arith.index_cast %arg0 : i32 to index
    %get3A_0 = memref.load %arg2[%get3A] : memref<96xi32, #tpu.memory_space<smem>>
    %eq3A = arith.cmpi eq, %get3A_0, %arg0 : i32
    %convert_element_type3A = arith.extui %eq3A : i1 to i32
    %cond3A = arith.constant 0 : i32
    %cond3A_1 = arith.cmpi ne, %convert_element_type3A, %cond3A : i32
    scf.if %cond3A_1 {
      %get3A_2 = arith.constant 0 : index
      %get3A_3 = arith.constant 0 : index
      %get3A_4 = vector.load %arg3[%get3A_2, %get3A_3] : memref<128x768xf32, #tpu.memory_space<vmem>>, vector<128x768xf32>
      %get3A_5 = arith.constant 0 : index
      %get3A_6 = arith.constant 0 : index
      %get3A_7 = arith.constant 0 : index
      %get3A_8 = vector.load %arg4[%get3A_5, %get3A_6, %get3A_7] : memref<1x768x384xf32, #tpu.memory_space<vmem>>, vector<1x768x384xf32>
      %get3A_9 = vector.shape_cast %get3A_8 : vector<1x768x384xf32> to vector<768x384xf32>
      %dot_general3A = arith.constant dense<0.000000e+00> : vector<128x384xf32>
      %dot_general3A_10 = tpu.matmul %get3A_4, %get3A_9, %dot_general3A {dimension_numbers = #tpu.dot_dimension_numbers<[1], [0], [0], [1], [0, 0, 1, 1], [], []>, transpose_lhs_hint = false} : vector<128x768xf32>, vector<768x384xf32>, vector<128x384xf32> -> vector<128x384xf32>
      %get3A_11 = arith.constant 0 : index
      %get3A_12 = arith.constant 0 : index
      %get3A_13 = arith.constant 0 : index
      %get3A_14 = vector.load %arg5[%get3A_11, %get3A_12, %get3A_13] : memref<1x768x384xf32, #tpu.memory_space<vmem>>, vector<1x768x384xf32>
      %get3A_15 = vector.shape_cast %get3A_14 : vector<1x768x384xf32> to vector<768x384xf32>
      %dot_general3A_16 = arith.constant dense<0.000000e+00> : vector<128x384xf32>
      %dot_general3A_17 = tpu.matmul %get3A_4, %get3A_15, %dot_general3A_16 {dimension_numbers = #tpu.dot_dimension_numbers<[1], [0], [0], [1], [0, 0, 1, 1], [], []>, transpose_lhs_hint = false} : vector<128x768xf32>, vector<768x384xf32>, vector<128x384xf32> -> vector<128x384xf32>
      %logistic3A = arith.negf %dot_general3A_10 : vector<128x384xf32>
      %logistic3A_18 = math.exp %logistic3A : vector<128x384xf32>
      %logistic3A_19 = arith.constant 1.000000e+00 : f32
      %logistic3A_20 = vector.broadcast %logistic3A_19 : f32 to vector<128x384xf32>
      %logistic3A_21 = arith.addf %logistic3A_20, %logistic3A_18 : vector<128x384xf32>
      %logistic3A_22 = arith.divf %logistic3A_20, %logistic3A_21 : vector<128x384xf32>
      %mul3A = arith.mulf %dot_general3A_10, %logistic3A_22 : vector<128x384xf32>
      %mul3A_23 = arith.mulf %mul3A, %dot_general3A_17 : vector<128x384xf32>
      %get3A_24 = arith.constant 0 : index
      %get3A_25 = arith.constant 0 : index
      %get3A_26 = arith.constant 0 : index
      %get3A_27 = vector.load %arg6[%get3A_24, %get3A_25, %get3A_26] : memref<1x384x768xf32, #tpu.memory_space<vmem>>, vector<1x384x768xf32>
      %get3A_28 = vector.shape_cast %get3A_27 : vector<1x384x768xf32> to vector<384x768xf32>
      %dot_general3A_29 = arith.constant dense<0.000000e+00> : vector<128x768xf32>
      %dot_general3A_30 = tpu.matmul %mul3A_23, %get3A_28, %dot_general3A_29 {dimension_numbers = #tpu.dot_dimension_numbers<[1], [0], [0], [1], [0, 0, 1, 1], [], []>, transpose_lhs_hint = false} : vector<128x384xf32>, vector<384x768xf32>, vector<128x768xf32> -> vector<128x768xf32>
      %swap3A = arith.constant 0 : index
      %swap3A_31 = arith.constant 0 : index
      %swap3A_32 = vector.load %arg7[%swap3A, %swap3A_31] : memref<128x768xf32, #tpu.memory_space<vmem>>, vector<128x768xf32>
      tpu.vector_store %arg7[%swap3A, %swap3A_31], %dot_general3A_30 {strides = array<i32>} : memref<128x768xf32, #tpu.memory_space<vmem>>, vector<128x768xf32>,
    } else {
    }
    return
  }
  func.func @transform_0(%arg0: i32, %arg1: memref<96xi32, #tpu.memory_space<smem>>, %arg2: memref<96xi32, #tpu.memory_space<smem>>) -> (i32, i32) {
    %get3A = arith.index_cast %arg0 : i32 to index
    %get3A_0 = memref.load %arg2[%get3A] : memref<96xi32, #tpu.memory_space<smem>>
    %c0_i32 = arith.constant 0 : i32
    %c0_i32_1 = arith.constant 0 : i32
    return %get3A_0, %c0_i32 : i32, i32
  }
  func.func @transform_1(%arg0: i32, %arg1: memref<96xi32, #tpu.memory_space<smem>>, %arg2: memref<96xi32, #tpu.memory_space<smem>>) -> (i32, i32, i32) {
    %get3A = arith.index_cast %arg0 : i32 to index
    %get3A_0 = memref.load %arg1[%get3A] : memref<96xi32, #tpu.memory_space<smem>>
    %c0_i32 = arith.constant 0 : i32
    %c0_i32_1 = arith.constant 0 : i32
    %c0_i32_2 = arith.constant 0 : i32
    return %get3A_0, %c0_i32, %c0_i32_1 : i32, i32, i32
  }
  func.func @transform_2(%arg0: i32, %arg1: memref<96xi32, #tpu.memory_space<smem>>, %arg2: memref<96xi32, #tpu.memory_space<smem>>) -> (i32, i32, i32) {
    %get3A = arith.index_cast %arg0 : i32 to index
    %get3A_0 = memref.load %arg1[%get3A] : memref<96xi32, #tpu.memory_space<smem>>
    %c0_i32 = arith.constant 0 : i32
    %c0_i32_1 = arith.constant 0 : i32
    %c0_i32_2 = arith.constant 0 : i32
    return %get3A_0, %c0_i32, %c0_i32_1 : i32, i32, i32
  }
  func.func @transform_3(%arg0: i32, %arg1: memref<96xi32, #tpu.memory_space<smem>>, %arg2: memref<96xi32, #tpu.memory_space<smem>>) -> (i32, i32, i32) {
    %get3A = arith.index_cast %arg0 : i32 to index
    %get3A_0 = memref.load %arg1[%get3A] : memref<96xi32, #tpu.memory_space<smem>>
    %c0_i32 = arith.constant 0 : i32
    %c0_i32_1 = arith.constant 0 : i32
    %c0_i32_2 = arith.constant 0 : i32
    return %get3A_0, %c0_i32, %c0_i32_1 : i32, i32, i32
  }
  func.func @transform_4(%arg0: i32, %arg1: memref<96xi32, #tpu.memory_space<smem>>, %arg2: memref<96xi32, #tpu.memory_space<smem>>) -> (i32, i32) {
    %get3A = arith.index_cast %arg0 : i32 to index
    %get3A_0 = memref.load %arg2[%get3A] : memref<96xi32, #tpu.memory_space<smem>>
    %c0_i32 = arith.constant 0 : i32
    %c0_i32_1 = arith.constant 0 : i32
    return %get3A_0, %c0_i32 : i32, i32
  }
}

module attributes {stable_mosaic.version = 14 : i64} {
  func.func @_route_body(%arg0: i32, %arg1: memref<1x1024x768xf32, #tpu.memory_space<vmem>>, %arg2: memref<768x64xf32, #tpu.memory_space<vmem>>, %arg3: memref<1x1x1024xi32, #tpu.memory_space<vmem>>, %arg4: memref<1x1x1024xi32, #tpu.memory_space<vmem>>, %arg5: memref<1x1024x1xf32, #tpu.memory_space<vmem>>, %arg6: memref<1x64xi32, #tpu.memory_space<vmem>>, %arg7: memref<128x1xi32, #tpu.memory_space<vmem>>, %arg8: memref<128x1xi32, #tpu.memory_space<vmem>>, %arg9: memref<1x64xf32, #tpu.memory_space<vmem>>) attributes {dimension_semantics = [#tpu.dimension_semantics<arbitrary>], iteration_bounds = array<i64: 4>, scalar_prefetch = 0 : i64, scratch_operands = 1 : i64, tpu.core_type = #tpu.core_type<tc>, window_params = [{transform_indices = @transform_0, window_bounds = array<i64: 1, 1024, 768>}, {pipeline_mode = #tpu.pipeline_mode<synchronous>, transform_indices = @transform_1, window_bounds = array<i64: 768, 64>}, {transform_indices = @transform_2, window_bounds = array<i64: 1, 1, 1024>}, {transform_indices = @transform_3, window_bounds = array<i64: 1, 1, 1024>}, {transform_indices = @transform_4, window_bounds = array<i64: 1, 1024, 1>}, {pipeline_mode = #tpu.pipeline_mode<synchronous>, transform_indices = @transform_5, window_bounds = array<i64: 1, 64>}, {pipeline_mode = #tpu.pipeline_mode<synchronous>, transform_indices = @transform_6, window_bounds = array<i64: 128, 1>}, {pipeline_mode = #tpu.pipeline_mode<synchronous>, transform_indices = @transform_7, window_bounds = array<i64: 128, 1>}]} {
    %eq3A = arith.constant 0 : i32
    %eq3A_0 = arith.cmpi eq, %arg0, %eq3A : i32
    %convert_element_type3A = arith.extui %eq3A_0 : i1 to i32
    %cond3A = arith.constant 0 : i32
    %cond3A_1 = arith.cmpi ne, %convert_element_type3A, %cond3A : i32
    scf.if %cond3A_1 {
      %broadcast_in_dim3A_73 = arith.constant 0.000000e+00 : f32
      %broadcast_in_dim3A_74 = vector.broadcast %broadcast_in_dim3A_73 : f32 to vector<1x64xf32>
      %swap3A_75 = arith.constant 0 : index
      %swap3A_76 = arith.constant 0 : index
      %swap3A_77 = vector.load %arg9[%swap3A_75, %swap3A_76] : memref<1x64xf32, #tpu.memory_space<vmem>>, vector<1x64xf32>
      tpu.vector_store %arg9[%swap3A_75, %swap3A_76], %broadcast_in_dim3A_74 {strides = array<i32>} : memref<1x64xf32, #tpu.memory_space<vmem>>, vector<1x64xf32>,
    } else {
    }
    %get3A = arith.constant 0 : index
    %get3A_2 = arith.constant 0 : index
    %get3A_3 = arith.constant 0 : index
    %get3A_4 = vector.load %arg1[%get3A, %get3A_2, %get3A_3] : memref<1x1024x768xf32, #tpu.memory_space<vmem>>, vector<1x1024x768xf32>
    %get3A_5 = vector.shape_cast %get3A_4 : vector<1x1024x768xf32> to vector<1024x768xf32>
    %get3A_6 = arith.constant 0 : index
    %get3A_7 = arith.constant 0 : index
    %get3A_8 = vector.load %arg2[%get3A_6, %get3A_7] : memref<768x64xf32, #tpu.memory_space<vmem>>, vector<768x64xf32>
    %dot_general3A = arith.constant dense<0.000000e+00> : vector<1024x64xf32>
    %dot_general3A_9 = tpu.matmul %get3A_5, %get3A_8, %dot_general3A {dimension_numbers = #tpu.dot_dimension_numbers<[1], [0], [0], [1], [0, 0, 1, 1], [], []>, transpose_lhs_hint = false} : vector<1024x768xf32>, vector<768x64xf32>, vector<1024x64xf32> -> vector<1024x64xf32>
    %reduce_max3A = arith.constant dense<0xFF800000> : vector<1024xf32>
    %reduce_max3A_10 = vector.multi_reduction <maximumf>, %dot_general3A_9, %reduce_max3A [1] : vector<1024x64xf32> to vector<1024xf32>
    %broadcast_in_dim3A = vector.shape_cast %reduce_max3A_10 : vector<1024xf32> to vector<1024x1xf32>
    %sub3A = vector.broadcast %broadcast_in_dim3A : vector<1024x1xf32> to vector<1024x64xf32>
    %sub3A_11 = arith.subf %dot_general3A_9, %sub3A : vector<1024x64xf32>
    %exp3A = math.exp %sub3A_11 : vector<1024x64xf32>
    %reduce_sum3A = arith.constant dense<0.000000e+00> : vector<1024xf32>
    %reduce_sum3A_12 = vector.multi_reduction <add>, %exp3A, %reduce_sum3A [1] : vector<1024x64xf32> to vector<1024xf32>
    %broadcast_in_dim3A_13 = vector.shape_cast %reduce_sum3A_12 : vector<1024xf32> to vector<1024x1xf32>
    %div3A = arith.constant 1.000000e+00 : f32
    %div3A_14 = vector.broadcast %div3A : f32 to vector<1024x1xf32>
    %div3A_15 = arith.divf %div3A_14, %broadcast_in_dim3A_13 : vector<1024x1xf32>
    %swap3A = arith.constant 0 : index
    %swap3A_16 = arith.constant 0 : index
    %swap3A_17 = arith.constant 0 : index
    %swap3A_18 = vector.load %arg5[%swap3A, %swap3A_16, %swap3A_17] : memref<1x1024x1xf32, #tpu.memory_space<vmem>>, vector<1x1024x1xf32>
    %swap3A_19 = vector.shape_cast %swap3A_18 : vector<1x1024x1xf32> to vector<1024x1xf32>
    %swap3A_20 = vector.shape_cast %div3A_15 : vector<1024x1xf32> to vector<1x1024x1xf32>
    tpu.vector_store %arg5[%swap3A, %swap3A_16, %swap3A_17], %swap3A_20 {strides = array<i32>} : memref<1x1024x1xf32, #tpu.memory_space<vmem>>, vector<1x1024x1xf32>,
    %iota3A = tpu.iota {dimensions = array<i32: 1>} : vector<1024x64xi32>
    %eq3A_21 = vector.broadcast %broadcast_in_dim3A : vector<1024x1xf32> to vector<1024x64xf32>
    %eq3A_22 = arith.cmpf oeq, %dot_general3A_9, %eq3A_21 : vector<1024x64xf32>
    %jit3A = arith.constant 64 : i32
    %broadcast_in_dim3A_23 = vector.broadcast %jit3A : i32 to vector<1024x64xi32>
    %select_n3A = arith.select %eq3A_22, %iota3A, %broadcast_in_dim3A_23 : vector<1024x64xi1>, vector<1024x64xi32>
    %reduce_min3A = arith.constant dense<2147483647> : vector<1024xi32>
    %reduce_min3A_24 = vector.multi_reduction <minsi>, %select_n3A, %reduce_min3A [1] : vector<1024x64xi32> to vector<1024xi32>
    %broadcast_in_dim3A_25 = vector.shape_cast %reduce_min3A_24 : vector<1024xi32> to vector<1024x1xi32>
    %eq3A_26 = vector.broadcast %broadcast_in_dim3A_25 : vector<1024x1xi32> to vector<1024x64xi32>
    %eq3A_27 = arith.cmpi eq, %iota3A, %eq3A_26 : vector<1024x64xi32>
    %convert_element_type3A_28 = arith.extui %eq3A_27 : vector<1024x64xi1> to vector<1024x64xi32>
    %convert_element_type3A_29 = arith.sitofp %convert_element_type3A_28 : vector<1024x64xi32> to vector<1024x64xf32>
    %iota3A_30 = tpu.iota {dimensions = array<i32: 0>} : vector<1024x1024xi32>
    %iota3A_31 = tpu.iota {dimensions = array<i32: 1>} : vector<1024x1024xi32>
    %ge3A = arith.cmpi sge, %iota3A_30, %iota3A_31 : vector<1024x1024xi32>
    %convert_element_type3A_32 = arith.extui %ge3A : vector<1024x1024xi1> to vector<1024x1024xi32>
    %convert_element_type3A_33 = arith.sitofp %convert_element_type3A_32 : vector<1024x1024xi32> to vector<1024x1024xf32>
    %dot_general3A_34 = arith.constant dense<0.000000e+00> : vector<1024x64xf32>
    %dot_general3A_35 = tpu.matmul %convert_element_type3A_33, %convert_element_type3A_29, %dot_general3A_34 {dimension_numbers = #tpu.dot_dimension_numbers<[1], [0], [0], [1], [0, 0, 1, 1], [], []>, transpose_lhs_hint = false} : vector<1024x1024xf32>, vector<1024x64xf32>, vector<1024x64xf32> -> vector<1024x64xf32>
    %mul3A = arith.mulf %dot_general3A_35, %convert_element_type3A_29 : vector<1024x64xf32>
    %reduce_sum3A_36 = arith.constant dense<0.000000e+00> : vector<1024xf32>
    %reduce_sum3A_37 = vector.multi_reduction <add>, %mul3A, %reduce_sum3A_36 [1] : vector<1024x64xf32> to vector<1024xf32>
    %sub3A_38 = arith.constant 1.000000e+00 : f32
    %sub3A_39 = vector.broadcast %sub3A_38 : f32 to vector<1024xf32>
    %sub3A_40 = arith.subf %reduce_sum3A_37, %sub3A_39 : vector<1024xf32>
    %get3A_41 = arith.constant 0 : index
    %get3A_42 = arith.constant 0 : index
    %get3A_43 = vector.load %arg9[%get3A_41, %get3A_42] : memref<1x64xf32, #tpu.memory_space<vmem>>, vector<1x64xf32>
    %mul3A_44 = vector.broadcast %get3A_43 : vector<1x64xf32> to vector<1024x64xf32>
    %mul3A_45 = arith.mulf %convert_element_type3A_29, %mul3A_44 : vector<1024x64xf32>
    %reduce_sum3A_46 = arith.constant dense<0.000000e+00> : vector<1024xf32>
    %reduce_sum3A_47 = vector.multi_reduction <add>, %mul3A_45, %reduce_sum3A_46 [1] : vector<1024x64xf32> to vector<1024xf32>
    %swap3A_48 = arith.constant 0 : index
    %swap3A_49 = arith.constant 0 : index
    %swap3A_50 = arith.constant 0 : index
    %swap3A_51 = vector.load %arg3[%swap3A_48, %swap3A_49, %swap3A_50] : memref<1x1x1024xi32, #tpu.memory_space<vmem>>, vector<1x1x1024xi32>
    %swap3A_52 = vector.shape_cast %swap3A_51 : vector<1x1x1024xi32> to vector<1024xi32>
    %swap3A_53 = vector.shape_cast %reduce_min3A_24 : vector<1024xi32> to vector<1x1x1024xi32>
    tpu.vector_store %arg3[%swap3A_48, %swap3A_49, %swap3A_50], %swap3A_53 {strides = array<i32>} : memref<1x1x1024xi32, #tpu.memory_space<vmem>>, vector<1x1x1024xi32>,
    %add3A = arith.addf %sub3A_40, %reduce_sum3A_47 : vector<1024xf32>
    %convert_element_type3A_54 = arith.fptosi %add3A : vector<1024xf32> to vector<1024xi32>
    %swap3A_55 = arith.constant 0 : index
    %swap3A_56 = arith.constant 0 : index
    %swap3A_57 = arith.constant 0 : index
    %swap3A_58 = vector.load %arg4[%swap3A_55, %swap3A_56, %swap3A_57] : memref<1x1x1024xi32, #tpu.memory_space<vmem>>, vector<1x1x1024xi32>
    %swap3A_59 = vector.shape_cast %swap3A_58 : vector<1x1x1024xi32> to vector<1024xi32>
    %swap3A_60 = vector.shape_cast %convert_element_type3A_54 : vector<1024xi32> to vector<1x1x1024xi32>
    tpu.vector_store %arg4[%swap3A_55, %swap3A_56, %swap3A_57], %swap3A_60 {strides = array<i32>} : memref<1x1x1024xi32, #tpu.memory_space<vmem>>, vector<1x1x1024xi32>,
    %reduce_sum3A_61 = arith.constant dense<0.000000e+00> : vector<64xf32>
    %reduce_sum3A_62 = vector.multi_reduction <add>, %convert_element_type3A_29, %reduce_sum3A_61 [0] : vector<1024x64xf32> to vector<64xf32>
    %broadcast_in_dim3A_63 = vector.shape_cast %reduce_sum3A_62 : vector<64xf32> to vector<1x64xf32>
    %add3A_64 = arith.addf %get3A_43, %broadcast_in_dim3A_63 : vector<1x64xf32>
    %swap3A_65 = arith.constant 0 : index
    %swap3A_66 = arith.constant 0 : index
    %swap3A_67 = vector.load %arg9[%swap3A_65, %swap3A_66] : memref<1x64xf32, #tpu.memory_space<vmem>>, vector<1x64xf32>
    tpu.vector_store %arg9[%swap3A_65, %swap3A_66], %add3A_64 {strides = array<i32>} : memref<1x64xf32, #tpu.memory_space<vmem>>, vector<1x64xf32>,
    %eq3A_68 = arith.constant 3 : i32
    %eq3A_69 = arith.cmpi eq, %arg0, %eq3A_68 : i32
    %convert_element_type3A_70 = arith.extui %eq3A_69 : i1 to i32
    %cond3A_71 = arith.constant 0 : i32
    %cond3A_72 = arith.cmpi ne, %convert_element_type3A_70, %cond3A_71 : i32
    scf.if %cond3A_72 {
      %get3A_73 = arith.constant 0 : index
      %get3A_74 = arith.constant 0 : index
      %get3A_75 = vector.load %arg9[%get3A_73, %get3A_74] : memref<1x64xf32, #tpu.memory_space<vmem>>, vector<1x64xf32>
      %div3A_76 = arith.constant 1.280000e+02 : f32
      %div3A_77 = vector.broadcast %div3A_76 : f32 to vector<1x64xf32>
      %div3A_78 = arith.divf %get3A_75, %div3A_77 : vector<1x64xf32>
      %ceil3A = math.ceil %div3A_78 : vector<1x64xf32>
      %iota3A_79 = tpu.iota {dimensions = array<i32: 0>} : vector<64x64xi32>
      %iota3A_80 = tpu.iota {dimensions = array<i32: 1>} : vector<64x64xi32>
      %le3A = arith.cmpi sle, %iota3A_79, %iota3A_80 : vector<64x64xi32>
      %convert_element_type3A_81 = arith.extui %le3A : vector<64x64xi1> to vector<64x64xi32>
      %convert_element_type3A_82 = arith.sitofp %convert_element_type3A_81 : vector<64x64xi32> to vector<64x64xf32>
      %dot_general3A_83 = arith.constant dense<0.000000e+00> : vector<1x64xf32>
      %dot_general3A_84 = tpu.matmul %ceil3A, %convert_element_type3A_82, %dot_general3A_83 {dimension_numbers = #tpu.dot_dimension_numbers<[1], [0], [0], [1], [0, 0, 1, 1], [], []>, transpose_lhs_hint = false} : vector<1x64xf32>, vector<64x64xf32>, vector<1x64xf32> -> vector<1x64xf32>
      %sub3A_85 = arith.subf %dot_general3A_84, %ceil3A : vector<1x64xf32>
      %mul3A_86 = arith.constant 1.280000e+02 : f32
      %mul3A_87 = vector.broadcast %mul3A_86 : f32 to vector<1x64xf32>
      %mul3A_88 = arith.mulf %sub3A_85, %mul3A_87 : vector<1x64xf32>
      %convert_element_type3A_89 = arith.fptosi %mul3A_88 : vector<1x64xf32> to vector<1x64xi32>
      %swap3A_90 = arith.constant 0 : index
      %swap3A_91 = arith.constant 0 : index
      %swap3A_92 = vector.load %arg6[%swap3A_90, %swap3A_91] : memref<1x64xi32, #tpu.memory_space<vmem>>, vector<1x64xi32>
      tpu.vector_store %arg6[%swap3A_90, %swap3A_91], %convert_element_type3A_89 {strides = array<i32>} : memref<1x64xi32, #tpu.memory_space<vmem>>, vector<1x64xi32>,
      %reduce_sum3A_93 = vector.shape_cast %ceil3A : vector<1x64xf32> to vector<1x1x64xf32>
      %reduce_sum3A_94 = arith.constant dense<0.000000e+00> : vector<1xf32>
      %reduce_sum3A_95 = vector.multi_reduction <add>, %reduce_sum3A_93, %reduce_sum3A_94 [1, 2] : vector<1x1x64xf32> to vector<1xf32>
      %reduce_sum3A_96 = vector.shape_cast %reduce_sum3A_95 : vector<1xf32> to vector<1x1x1xf32>
      %reduce_sum3A_97 = vector.extract %reduce_sum3A_96[0, 0, 0] : f32 from vector<1x1x1xf32>
      %broadcast_in_dim3A_98 = vector.shape_cast %dot_general3A_84 : vector<1x64xf32> to vector<1x64xf32>
      %broadcast_in_dim3A_99 = vector.broadcast %broadcast_in_dim3A_98 : vector<1x64xf32> to vector<128x64xf32>
      %iota3A_100 = tpu.iota {dimensions = array<i32: 0>} : vector<128x64xi32>
      %convert_element_type3A_101 = arith.sitofp %iota3A_100 : vector<128x64xi32> to vector<128x64xf32>
      %le3A_102 = arith.cmpf ole, %broadcast_in_dim3A_99, %convert_element_type3A_101 : vector<128x64xf32>
      %convert_element_type3A_103 = arith.extui %le3A_102 : vector<128x64xi1> to vector<128x64xi32>
      %convert_element_type3A_104 = arith.sitofp %convert_element_type3A_103 : vector<128x64xi32> to vector<128x64xf32>
      %reduce_sum3A_105 = arith.constant dense<0.000000e+00> : vector<128xf32>
      %reduce_sum3A_106 = vector.multi_reduction <add>, %convert_element_type3A_104, %reduce_sum3A_105 [1] : vector<128x64xf32> to vector<128xf32>
      %min3A = arith.constant 6.300000e+01 : f32
      %min3A_107 = vector.broadcast %min3A : f32 to vector<128xf32>
      %min3A_108 = arith.minimumf %reduce_sum3A_106, %min3A_107 : vector<128xf32>
      %convert_element_type3A_109 = arith.fptosi %min3A_108 : vector<128xf32> to vector<128xi32>
      %broadcast_in_dim3A_110 = vector.shape_cast %convert_element_type3A_109 : vector<128xi32> to vector<128x1xi32>
      %swap3A_111 = arith.constant 0 : index
      %swap3A_112 = arith.constant 0 : index
      %swap3A_113 = vector.load %arg7[%swap3A_111, %swap3A_112] : memref<128x1xi32, #tpu.memory_space<vmem>>, vector<128x1xi32>
      tpu.vector_store %arg7[%swap3A_111, %swap3A_112], %broadcast_in_dim3A_110 {strides = array<i32>} : memref<128x1xi32, #tpu.memory_space<vmem>>, vector<128x1xi32>,
      %iota3A_114 = tpu.iota {dimensions = array<i32: 0>} : vector<128x1xi32>
      %convert_element_type3A_115 = arith.sitofp %iota3A_114 : vector<128x1xi32> to vector<128x1xf32>
      %min3A_116 = vector.broadcast %reduce_sum3A_97 : f32 to vector<128x1xf32>
      %min3A_117 = arith.minimumf %convert_element_type3A_115, %min3A_116 : vector<128x1xf32>
      %convert_element_type3A_118 = arith.fptosi %min3A_117 : vector<128x1xf32> to vector<128x1xi32>
      %swap3A_119 = arith.constant 0 : index
      %swap3A_120 = arith.constant 0 : index
      %swap3A_121 = vector.load %arg8[%swap3A_119, %swap3A_120] : memref<128x1xi32, #tpu.memory_space<vmem>>, vector<128x1xi32>
      tpu.vector_store %arg8[%swap3A_119, %swap3A_120], %convert_element_type3A_118 {strides = array<i32>} : memref<128x1xi32, #tpu.memory_space<vmem>>, vector<128x1xi32>,
    } else {
    }
    return
  }
  func.func @transform_0(%arg0: i32) -> (i32, i32, i32) {
    %c0_i32 = arith.constant 0 : i32
    %c0_i32_0 = arith.constant 0 : i32
    %c0_i32_1 = arith.constant 0 : i32
    return %arg0, %c0_i32, %c0_i32_0 : i32, i32, i32
  }
  func.func @transform_1(%arg0: i32) -> (i32, i32) {
    %c0_i32 = arith.constant 0 : i32
    %c0_i32_0 = arith.constant 0 : i32
    %c0_i32_1 = arith.constant 0 : i32
    return %c0_i32, %c0_i32_0 : i32, i32
  }
  func.func @transform_2(%arg0: i32) -> (i32, i32, i32) {
    %c0_i32 = arith.constant 0 : i32
    %c0_i32_0 = arith.constant 0 : i32
    %c0_i32_1 = arith.constant 0 : i32
    return %arg0, %c0_i32, %c0_i32_0 : i32, i32, i32
  }
  func.func @transform_3(%arg0: i32) -> (i32, i32, i32) {
    %c0_i32 = arith.constant 0 : i32
    %c0_i32_0 = arith.constant 0 : i32
    %c0_i32_1 = arith.constant 0 : i32
    return %arg0, %c0_i32, %c0_i32_0 : i32, i32, i32
  }
  func.func @transform_4(%arg0: i32) -> (i32, i32, i32) {
    %c0_i32 = arith.constant 0 : i32
    %c0_i32_0 = arith.constant 0 : i32
    %c0_i32_1 = arith.constant 0 : i32
    return %arg0, %c0_i32, %c0_i32_0 : i32, i32, i32
  }
  func.func @transform_5(%arg0: i32) -> (i32, i32) {
    %c0_i32 = arith.constant 0 : i32
    %c0_i32_0 = arith.constant 0 : i32
    %c0_i32_1 = arith.constant 0 : i32
    return %c0_i32, %c0_i32_0 : i32, i32
  }
  func.func @transform_6(%arg0: i32) -> (i32, i32) {
    %c0_i32 = arith.constant 0 : i32
    %c0_i32_0 = arith.constant 0 : i32
    %c0_i32_1 = arith.constant 0 : i32
    return %c0_i32, %c0_i32_0 : i32, i32
  }
  func.func @transform_7(%arg0: i32) -> (i32, i32) {
    %c0_i32 = arith.constant 0 : i32
    %c0_i32_0 = arith.constant 0 : i32
    %c0_i32_1 = arith.constant 0 : i32
    return %c0_i32, %c0_i32_0 : i32, i32
  }
}

module attributes {stable_mosaic.version = 14 : i64} {
  func.func @_combine_body(%arg0: i32, %arg1: memref<1x1024x768xf32, #tpu.memory_space<vmem>>, %arg2: memref<1x1024x768xf32, #tpu.memory_space<vmem>>, %arg3: memref<1x1024x1xf32, #tpu.memory_space<vmem>>, %arg4: memref<768x384xbf16, #tpu.memory_space<vmem>>, %arg5: memref<768x384xbf16, #tpu.memory_space<vmem>>, %arg6: memref<384x768xbf16, #tpu.memory_space<vmem>>, %arg7: memref<1x1024x768xf32, #tpu.memory_space<vmem>>) attributes {dimension_semantics = [#tpu.dimension_semantics<arbitrary>], iteration_bounds = array<i64: 4>, scalar_prefetch = 0 : i64, scratch_operands = 0 : i64, tpu.core_type = #tpu.core_type<tc>, window_params = [{transform_indices = @transform_0, window_bounds = array<i64: 1, 1024, 768>}, {transform_indices = @transform_1, window_bounds = array<i64: 1, 1024, 768>}, {transform_indices = @transform_2, window_bounds = array<i64: 1, 1024, 1>}, {pipeline_mode = #tpu.pipeline_mode<synchronous>, transform_indices = @transform_3, window_bounds = array<i64: 768, 384>}, {pipeline_mode = #tpu.pipeline_mode<synchronous>, transform_indices = @transform_4, window_bounds = array<i64: 768, 384>}, {pipeline_mode = #tpu.pipeline_mode<synchronous>, transform_indices = @transform_5, window_bounds = array<i64: 384, 768>}, {transform_indices = @transform_6, window_bounds = array<i64: 1, 1024, 768>}]} {
    %get3A = arith.constant 0 : index
    %get3A_0 = arith.constant 0 : index
    %get3A_1 = arith.constant 0 : index
    %get3A_2 = vector.load %arg1[%get3A, %get3A_0, %get3A_1] : memref<1x1024x768xf32, #tpu.memory_space<vmem>>, vector<1x1024x768xf32>
    %get3A_3 = vector.shape_cast %get3A_2 : vector<1x1024x768xf32> to vector<1024x768xf32>
    %convert_element_type3A = arith.truncf %get3A_3 : vector<1024x768xf32> to vector<1024x768xbf16>
    %get3A_4 = arith.constant 0 : index
    %get3A_5 = arith.constant 0 : index
    %get3A_6 = vector.load %arg4[%get3A_4, %get3A_5] : memref<768x384xbf16, #tpu.memory_space<vmem>>, vector<768x384xbf16>
    %dot_general3A = arith.constant dense<0.000000e+00> : vector<1024x384xf32>
    %dot_general3A_7 = tpu.matmul %convert_element_type3A, %get3A_6, %dot_general3A {dimension_numbers = #tpu.dot_dimension_numbers<[1], [0], [0], [1], [0, 0, 1, 1], [], []>, transpose_lhs_hint = false} : vector<1024x768xbf16>, vector<768x384xbf16>, vector<1024x384xf32> -> vector<1024x384xf32>
    %get3A_8 = arith.constant 0 : index
    %get3A_9 = arith.constant 0 : index
    %get3A_10 = vector.load %arg5[%get3A_8, %get3A_9] : memref<768x384xbf16, #tpu.memory_space<vmem>>, vector<768x384xbf16>
    %dot_general3A_11 = arith.constant dense<0.000000e+00> : vector<1024x384xf32>
    %dot_general3A_12 = tpu.matmul %convert_element_type3A, %get3A_10, %dot_general3A_11 {dimension_numbers = #tpu.dot_dimension_numbers<[1], [0], [0], [1], [0, 0, 1, 1], [], []>, transpose_lhs_hint = false} : vector<1024x768xbf16>, vector<768x384xbf16>, vector<1024x384xf32> -> vector<1024x384xf32>
    %logistic3A = arith.negf %dot_general3A_7 : vector<1024x384xf32>
    %logistic3A_13 = math.exp %logistic3A : vector<1024x384xf32>
    %logistic3A_14 = arith.constant 1.000000e+00 : f32
    %logistic3A_15 = vector.broadcast %logistic3A_14 : f32 to vector<1024x384xf32>
    %logistic3A_16 = arith.addf %logistic3A_15, %logistic3A_13 : vector<1024x384xf32>
    %logistic3A_17 = arith.divf %logistic3A_15, %logistic3A_16 : vector<1024x384xf32>
    %mul3A = arith.mulf %dot_general3A_7, %logistic3A_17 : vector<1024x384xf32>
    %mul3A_18 = arith.mulf %mul3A, %dot_general3A_12 : vector<1024x384xf32>
    %convert_element_type3A_19 = arith.truncf %mul3A_18 : vector<1024x384xf32> to vector<1024x384xbf16>
    %get3A_20 = arith.constant 0 : index
    %get3A_21 = arith.constant 0 : index
    %get3A_22 = vector.load %arg6[%get3A_20, %get3A_21] : memref<384x768xbf16, #tpu.memory_space<vmem>>, vector<384x768xbf16>
    %dot_general3A_23 = arith.constant dense<0.000000e+00> : vector<1024x768xf32>
    %dot_general3A_24 = tpu.matmul %convert_element_type3A_19, %get3A_22, %dot_general3A_23 {dimension_numbers = #tpu.dot_dimension_numbers<[1], [0], [0], [1], [0, 0, 1, 1], [], []>, transpose_lhs_hint = false} : vector<1024x384xbf16>, vector<384x768xbf16>, vector<1024x768xf32> -> vector<1024x768xf32>
    %get3A_25 = arith.constant 0 : index
    %get3A_26 = arith.constant 0 : index
    %get3A_27 = arith.constant 0 : index
    %get3A_28 = vector.load %arg2[%get3A_25, %get3A_26, %get3A_27] : memref<1x1024x768xf32, #tpu.memory_space<vmem>>, vector<1x1024x768xf32>
    %get3A_29 = vector.shape_cast %get3A_28 : vector<1x1024x768xf32> to vector<1024x768xf32>
    %get3A_30 = arith.constant 0 : index
    %get3A_31 = arith.constant 0 : index
    %get3A_32 = arith.constant 0 : index
    %get3A_33 = vector.load %arg3[%get3A_30, %get3A_31, %get3A_32] : memref<1x1024x1xf32, #tpu.memory_space<vmem>>, vector<1x1024x1xf32>
    %get3A_34 = vector.shape_cast %get3A_33 : vector<1x1024x1xf32> to vector<1024x1xf32>
    %mul3A_35 = vector.broadcast %get3A_34 : vector<1024x1xf32> to vector<1024x768xf32>
    %mul3A_36 = arith.mulf %get3A_29, %mul3A_35 : vector<1024x768xf32>
    %add3A = arith.addf %dot_general3A_24, %mul3A_36 : vector<1024x768xf32>
    %swap3A = arith.constant 0 : index
    %swap3A_37 = arith.constant 0 : index
    %swap3A_38 = arith.constant 0 : index
    %swap3A_39 = vector.load %arg7[%swap3A, %swap3A_37, %swap3A_38] : memref<1x1024x768xf32, #tpu.memory_space<vmem>>, vector<1x1024x768xf32>
    %swap3A_40 = vector.shape_cast %swap3A_39 : vector<1x1024x768xf32> to vector<1024x768xf32>
    %swap3A_41 = vector.shape_cast %add3A : vector<1024x768xf32> to vector<1x1024x768xf32>
    tpu.vector_store %arg7[%swap3A, %swap3A_37, %swap3A_38], %swap3A_41 {strides = array<i32>} : memref<1x1024x768xf32, #tpu.memory_space<vmem>>, vector<1x1024x768xf32>,
    return
  }
  func.func @transform_0(%arg0: i32) -> (i32, i32, i32) {
    %c0_i32 = arith.constant 0 : i32
    %c0_i32_0 = arith.constant 0 : i32
    %c0_i32_1 = arith.constant 0 : i32
    return %arg0, %c0_i32, %c0_i32_0 : i32, i32, i32
  }
  func.func @transform_1(%arg0: i32) -> (i32, i32, i32) {
    %c0_i32 = arith.constant 0 : i32
    %c0_i32_0 = arith.constant 0 : i32
    %c0_i32_1 = arith.constant 0 : i32
    return %arg0, %c0_i32, %c0_i32_0 : i32, i32, i32
  }
  func.func @transform_2(%arg0: i32) -> (i32, i32, i32) {
    %c0_i32 = arith.constant 0 : i32
    %c0_i32_0 = arith.constant 0 : i32
    %c0_i32_1 = arith.constant 0 : i32
    return %arg0, %c0_i32, %c0_i32_0 : i32, i32, i32
  }
  func.func @transform_3(%arg0: i32) -> (i32, i32) {
    %c0_i32 = arith.constant 0 : i32
    %c0_i32_0 = arith.constant 0 : i32
    %c0_i32_1 = arith.constant 0 : i32
    return %c0_i32, %c0_i32_0 : i32, i32
  }
  func.func @transform_4(%arg0: i32) -> (i32, i32) {
    %c0_i32 = arith.constant 0 : i32
    %c0_i32_0 = arith.constant 0 : i32
    %c0_i32_1 = arith.constant 0 : i32
    return %c0_i32, %c0_i32_0 : i32, i32
  }
  func.func @transform_5(%arg0: i32) -> (i32, i32) {
    %c0_i32 = arith.constant 0 : i32
    %c0_i32_0 = arith.constant 0 : i32
    %c0_i32_1 = arith.constant 0 : i32
    return %c0_i32, %c0_i32_0 : i32, i32
  }
  func.func @transform_6(%arg0: i32) -> (i32, i32, i32) {
    %c0_i32 = arith.constant 0 : i32
    %c0_i32_0 = arith.constant 0 : i32
    %c0_i32_1 = arith.constant 0 : i32
    return %arg0, %c0_i32, %c0_i32_0 : i32, i32, i32
  }
}

</mosaic_0001>

<sc_bundles>
// kernel: kernel.10.cloned.1.call-start
scs
__scs_entry_jumppad:
0x0: {  	(pc) =	sbr.rel $0x88, $3  }
0x1: {  	(tag) =	ssettag $0x0;
	lr =	simm.s32 $0x1  }
0x2: {  	[smem:$0x3F99] =	sst lr;
	_ =	strace $0xD0000000  }
0x3: {  	_ = 	snop  }
0x4: {  	_ = 	snop  }
0x5: {  	_ = 	snop  }
0x6: {  	_ = 	snop  }
0x7: {  	_ = 	snop  }
__scs_overlays_trampoline_lowered:
0x8: {  	[smem:$0x3FA8] =	sst s0  }
0x9: {  	[smem:$0x3FA9] =	sst s1  }
0xa: {  	[smem:$0x3FAA] =	sst s2  }
0xb: {  	[smem:$0x3FAB] =	sst s3  }
0xc: {  	[smem:$0x3FAC] =	sst s4  }
0xd: {  	[smem:$0x3FAD] =	sst s5  }
0xe: {  	[smem:$0x3FAE] =	sst s6  }
0xf: {  	[smem:$0x3FAF] =	sst s7  }
0x10: {  	[smem:$0x3FB0] =	sst s8  }
0x11: {  	[smem:$0x3FB1] =	sst s9;
	s0 =	simm.s32 @!p0 $0x0  }
0x12: {  	s1 =	sld [smem:$0x3F97];
	s0 =	simm.s32 @p0 $0x1  }
0x13: {  	[smem:$0x3FB2] =	sst s0;
	s0 =	simm.s32 @!p1 $0x0  }
0x14: {  	s2 =	sld [smem:$0x3F96];
	s0 =	simm.s32 @p1 $0x1  }
0x15: {  	[smem:$0x3FB3] =	sst s0;
	s0 =	simm.s32 @!p2 $0x0  }
0x16: {  	s3 =	sld [smem:$0x3FDB];
	s0 =	simm.s32 @p2 $0x1  }
0x17: {  	s4 =	simm.s32 $0x1BF5;
	[smem:$0x3FB5] =	sst s0  }
0x18: {  	s0 =	sld [smem:$0x3F98];
	_ =	swait.ge [sflag:s4], $0x0  }
0x19: {  	s7 =	sld [smem:$0x3F99]  }
0x1a: {  	s8 =	sadd.s32 $0xFFFFE003, lr  }
0x1b: {  	s9 =	sadd.s32 $0xFFFFFEF7, lr;
	s5 =	simm.s32 $0xFFFFFFFF;
	p2 =	slt.u32 s8, $0xFFFFF086  }
0x1c: {  	p1 =	slt.u32 s9, $0xF7A;
	s5 =	simm.s32 @!p2 $0x0  }
0x1d: {  	s5 =	simm.s32 @p1 $0x1;
	p0 =	seq.s32 s7, s2  }
0x1e: {  	s7 =	smul.u32 @!p0 $0xF7A, s2;
	p2 =	seq.s32 @!p0 s5, $0x0  }
0x1f: {  	s9 =	smul.u32 $0xF7A, s1;
	s8 =	simm.s32 @!p0 $0x1BF5;
	p2 =	por !p2, p0  }
0x20: {  	[sflag:s8] =	ssyncset.s32 @!p0 $0xFFFFF086;
	s6 =	sadd.s32 @!p0 s3, s7;
	s7 =	simm.s32 @!p0 $0x108  }
0x21: {  	s3 =	sadd.s32 s3, s9;
	s6 =	sadd.s32 @!p0 $0x88, s6;
	s7 =	simm.s32 @p2 $0x1082  }
0x22: {  	[simem:s7], [sflag:s8] =	dma.local @!p0 [hbm:s6], $0xF7A  }
0x23: {  	s9 =	sor.u32 $0xD0000000, s2;
	s6 =	simm.s32 $0x108;
	_ =	swait.ge @!p0 [sflag:s8], $0x0  }
0x24: {  	s3 =	sadd.s32 $0x88, s3;
	s6 =	simm.s32 @!p1 $0x1082;
	[sflag:s4] =	ssyncset.s32 $0xFFFFF086  }
0x25: {  	[simem:s6], [sflag:s4] =	dma.local [hbm:s3], $0xF7A  }
0x26: {  	[smem:$0x3F99] =	sst s1;
	(tag) =	ssettag s2;
	_ =	strace s9  }
0x27: {  	s1 =	sld [smem:$0x3FA9]  }
0x28: {  	s2 =	sld [smem:$0x3FAA]  }
0x29: {  	s4 =	sld [smem:$0x3FAC]  }
0x2a: {  	p0 =	seq.s32 s5, $0x0;
	s5 =	sld [smem:$0x3FAD]  }
0x2b: {  	s6 =	sld [smem:$0x3FAE]  }
0x2c: {  	s7 =	sld [smem:$0x3FAF]  }
0x2d: {  	s3 =	simm.s32 $0x108;
	s8 =	sld [smem:$0x3FB0]  }
0x2e: {  	s3 =	simm.s32 @!p0 $0x1082;
	s9 =	sld [smem:$0x3FB1]  }
0x2f: {  	lr =	sadd.s32 s0, s3;
	s0 =	sld [smem:$0x3FA8]  }
0x30: {  	s3 =	sld [smem:$0x3FAB]  }
0x31: {  	[smem:$0x3FB4] =	sst s10  }
0x32: {  	s10 =	sld [smem:$0x3FB2];
	_ =	sdelay $0x3  }
0x33: {  	p0 =	seq.s32 s10, $0x1;
	s10 =	sld [smem:$0x3FB4];
	_ =	sdelay $0x3  }
0x34: {  	[smem:$0x3FB4] =	sst s10  }
0x35: {  	s10 =	sld [smem:$0x3FB3];
	_ =	sdelay $0x3  }
0x36: {  	p1 =	seq.s32 s10, $0x1;
	s10 =	sld [smem:$0x3FB4];
	_ =	sdelay $0x3  }
0x37: {  	[smem:$0x3FB4] =	sst s10  }
0x38: {  	s10 =	sld [smem:$0x3FB5]  }
0x39: {  	_ = 	snop;
	(pc) =	sbr.ind lr, $3  }
0x3a: {  	_ = 	snop  }
0x3b: {  	_ = 	snop  }
0x3c: {  	p2 =	seq.s32 s10, $0x1;
	s10 =	sld [smem:$0x3FB4]  }
0x3d: {  	_ =	shalt  }
0x3e: {  	_ =	shalt  }
0x3f: {  	_ =	shalt  }
0x40: {  	_ =	shalt  }
0x41: {  	_ =	shalt  }
0x42: {  	_ =	shalt  }
0x43: {  	_ =	shalt  }
0x44: {  	_ =	shalt  }
0x45: {  	_ =	shalt  }
0x46: {  	_ =	shalt  }
0x47: {  	_ =	shalt  }
0x48: {  	_ =	shalt  }
0x49: {  	_ =	shalt  }
0x4a: {  	_ =	shalt  }
0x4b: {  	_ =	shalt  }
0x4c: {  	_ =	shalt  }
0x4d: {  	_ =	shalt  }
0x4e: {  	_ =	shalt  }
0x4f: {  	_ =	shalt  }
0x50: {  	_ =	shalt  }
0x51: {  	_ =	shalt  }
0x52: {  	_ =	shalt  }
0x53: {  	_ =	shalt  }
0x54: {  	_ =	shalt  }
0x55: {  	_ =	shalt  }
0x56: {  	_ =	shalt  }
0x57: {  	_ =	shalt  }
0x58: {  	_ =	shalt  }
0x59: {  	_ =	shalt  }
0x5a: {  	_ =	shalt  }
0x5b: {  	_ =	shalt  }
0x5c: {  	_ =	shalt  }
0x5d: {  	_ =	shalt  }
0x5e: {  	_ =	shalt  }
0x5f: {  	_ =	shalt  }
0x60: {  	_ =	shalt  }
0x61: {  	_ =	shalt  }
0x62: {  	_ =	shalt  }
0x63: {  	_ =	shalt  }
0x64: {  	_ =	shalt  }
0x65: {  	_ =	shalt  }
0x66: {  	_ =	shalt  }
0x67: {  	_ =	shalt  }
0x68: {  	_ =	shalt  }
0x69: {  	_ =	shalt  }
0x6a: {  	_ =	shalt  }
0x6b: {  	_ =	shalt  }
0x6c: {  	_ =	shalt  }
0x6d: {  	_ =	shalt  }
0x6e: {  	_ =	shalt  }
0x6f: {  	_ =	shalt  }
0x70: {  	_ =	shalt  }
0x71: {  	_ =	shalt  }
0x72: {  	_ =	shalt  }
0x73: {  	_ =	shalt  }
0x74: {  	_ =	shalt  }
0x75: {  	_ =	shalt  }
0x76: {  	_ =	shalt  }
0x77: {  	_ =	shalt  }
0x78: {  	_ =	shalt  }
0x79: {  	_ =	shalt  }
0x7a: {  	_ =	shalt  }
0x7b: {  	_ =	shalt  }
0x7c: {  	_ =	shalt  }
0x7d: {  	_ =	shalt  }
0x7e: {  	_ =	shalt  }
0x7f: {  	_ =	shalt  }
0x80: {  	_ =	shalt  }
0x81: {  	_ =	shalt  }
0x82: {  	_ =	shalt  }
0x83: {  	_ =	shalt  }
0x84: {  	_ =	shalt  }
0x85: {  	_ =	shalt  }
0x86: {  	_ =	shalt  }
0x87: {  	_ =	shalt  }
.Lfunc_end0:
.L_simem_size_0:
called_computation.1_lowered:
.L_overlay_start_0:
0x88: {  	s2 =	sld [smem:$0x3FD9]  }
0x89: {  	s3 =	sld [smem:$0x3FFE];
	_ =	sdelay $0x1  }
0x8a: {  	s1 =	srdreg.scid  }
0x8b: {  	s0 =	sand.u32 $0x1, s1  }
0x8c: {  	s16 =	sshll.u32 s0, $0xA;
	s2 =	sadd.s32 s3, s2  }
0x8d: {  	s2 =	sadd.s32 s2, s16  }
0x8e: {  	[smem:$0x3FC0] =	sst s2  }
0x8f: {  	_ = 	snop  }
0x90: {  	(tm) =	ssettm $0x1  }
0x91: {  	s17 =	sld [smem:$0x3FFB];
	_ =	sdelay $0x3  }
0x92: {  	_ =	strace s17  }
0x93: {  	s2 =	sld [smem:$0x3FFC];
	_ =	sdelay $0x3  }
0x94: {  	_ =	strace s2  }
0x95: {  	s2 =	sld [smem:$0x3FFD];
	_ =	sdelay $0x3  }
0x96: {  	_ =	strace s2  }
0x97: {  	_ =	strace $0x8FFFFFFF  }
0x98: {  	s18 =	sld [smem:$0x3FDB];
	_ =	sdelay $0x1  }
0x99: {  	s19 =	simm.s32 $_scs_section_size  }
0x9a: {  	s4 =	simm.s32 $_size__tile_overlayer_lowered;
	s5 =	simm.s32 $_tile_overlayer_lowered  }
0x9b: {  	s22 =	simm.s32 $0x1BFF;
	s21 =	sshll.u32 s5, $0x1;
	s2 =	sadd.s32 s19, s18  }
0x9c: {  	s6 =	simm.s32 $0x0;
	s20 =	sshll.u32 s4, $0x1;
	s4 =	sadd.s32 s21, s2  }
0x9d: {  	[timem:s6], [sflag:s22] =	dma.local [hbm:s4], s20  }
0x9e: {  	_ =	swait.ge [sflag:s22], s20  }
0x9f: {  	s3 =	ssub.s32 $0x0, s20;
	[sflag:s22] =	ssyncset.done $0x0  }
0xa0: {  	[sflag:s22] =	ssyncadd.s32 s3;
	_ =	sdelay $0x1  }
0xa1: {  	s23 =	simm.s32 $0x1B8B  }
0xa2: {  	_ =	swait.ge [sflag:s23], $0x1  }
0xa3: {  	[sflag:s23] =	ssyncset.done $0x0  }
0xa4: {  	s25 =	simm.s32 $0x1B8E;
	s24 =	sld [smem:$0x3FFE];
	[sflag:s23] =	ssyncadd.s32 $0xFFFFFFFF  }
0xa5: {  	s26 =	simm.s32 $execute0_lowered;
	[smem:$0x3FD2] =	sst s25  }
0xa6: {  	s4 =	sshll.u32 s26, $0x1;
	_ =	strace $0x80000049;
	[dreg:$0x1] =	wrdreg $0xFFFFFFFF  }
0xa7: {  	s28 =	simm.s32 $_size_execute0_lowered;
	s2 =	sadd.s32 s2, s4;
	[dreg:$0x0] =	wrdreg $0x0  }
0xa8: {  	s4 =	sshll.u32 s28, $0x1;
	[dreg:$0x2] =	wrdreg s2  }
0xa9: {  	[dreg:$0x3] =	wrdreg s4  }
0xaa: {  	[dreg:$0x4] =	wrdreg $0xC0  }
0xab: {  	_ =	task [dreg:s6], $0x5FFFF  }
0xac: {  	[dreg:$0x1] =	wrdreg $0xFFFFFFFF  }
0xad: {  	[dreg:$0x0] =	wrdreg $0x60  }
0xae: {  	[dreg:$0x2] =	wrdreg s24  }
0xaf: {  	[dreg:$0x3] =	wrdreg $0x9  }
0xb0: {  	_ =	task.clear_ibuf [dreg:s6], $0x4FFFF;
	_ =	strace $0x90000049  }
0xb1: {  	s29 =	simm.s32 $0x9;
	_ =	strace $0x8000004B  }
0xb2: {  	_ =	swait.ge [sflag:s29], $0x1  }
0xb3: {  	[sflag:s29] =	ssyncadd.s32 $0xFFFFFFFF  }
0xb4: {  	_ =	strace $0x9000004B  }
0xb5: {  	_ =	sfence  }
0xb6: {  	s30 =	sld [smem:$0x0];
	_ =	sdelay $0x2  }
0xb7: {  	s31 =	sshll.u32 s1, $0xD;
	s1 =	sshrl.u32 s1, $0x2  }
0xb8: {  	s3 =	sand.u32 $0x4000, s31;
	s1 =	sadd.s32 s1, s30  }
0xb9: {  	s0 =	sor.u32 s3, s0;
	s1 =	sshll.u32 s1, $0x11  }
0xba: {  	s0 =	sor.u32 s1, s0  }
0xbb: {  	s0 =	sadd.s32 $0x8F2B, s0  }
0xbc: {  	[sflag:s0] =	ssyncadd.remote.s32 $0x1  }
0xbd: {  	_ =	sfence.sel $0xFFFF  }
0xbe: {  	[dreg:$0x0] =	wrdreg $0xFFFFFFFF;
	(pc) =	sbr.abs _section_cstart, $3  }
0xbf: {  	[dreg:$0x1] =	wrdreg $0xFFFFFFFF  }
0xc0: {  	_ =	task.clear_ibuf [dreg:s6], $0x2FFFF;
	_ =	strace $0x9FFFFFFF  }
0xc1: {  	(tm) =	ssettm $0x7FFFFFFF  }
tec
execute0_lowered:
.L_overlay_start_1:
0x0: {  	(tag) =	ssettag $0x1  }
0x1: {  	s1 =	srdreg.scid  }
0x2: {  	s0 =	stileid.u32;
	s1 =	sand.u32 $0x1, s1  }
0x3: {  	s2 =	sshll.u32 s0, $0x5;
	s3 =	sshll.u32 s1, $0x4  }
0x4: {  	s5 =	rddreg [dreg:$0x0];
	s3 =	sor.u32 s3, s2;
	s2 =	simm.s32 $0x0  }
0x5: {  	s26 =	simm.s32 $0x880;
	[smem:$0x7FF] =	sst s2  }
0x6: {  	s0 =	simm.s32 $0x1080;
	_ =	strace $0x8000004A;
	[dreg:$0x4] =	wrdreg s26  }
0x7: {  	s6 =	simm.s32 $0x2080;
	[dreg:$0x5] =	wrdreg s0  }
0x8: {  	s7 =	simm.s32 $0x2880;
	[dreg:$0x7] =	wrdreg s6  }
0x9: {  	s8 =	simm.s32 $0x3080;
	[dreg:$0x8] =	wrdreg s7  }
0xa: {  	s9 =	simm.s32 $0x3880;
	[dreg:$0x9] =	wrdreg s8  }
0xb: {  	s10 =	simm.s32 $0x4080;
	[dreg:$0xa] =	wrdreg s9  }
0xc: {  	s11 =	simm.s32 $0x4880;
	[dreg:$0xb] =	wrdreg s10  }
0xd: {  	s12 =	simm.s32 $0x5080;
	[dreg:$0xc] =	wrdreg s11  }
0xe: {  	s13 =	simm.s32 $0x5880;
	[dreg:$0xd] =	wrdreg s12  }
0xf: {  	s14 =	simm.s32 $0x6080;
	[dreg:$0xe] =	wrdreg s13  }
0x10: {  	s15 =	simm.s32 $0x6880;
	[dreg:$0xf] =	wrdreg s14  }
0x11: {  	s16 =	simm.s32 $0x7080;
	[dreg:$0x10] =	wrdreg s15  }
0x12: {  	s17 =	simm.s32 $0x7880;
	s18 =	simm.s32 $0x8080;
	[dreg:$0x11] =	wrdreg s16  }
0x13: {  	s19 =	simm.s32 $0x8880;
	s20 =	simm.s32 $0x9080;
	[dreg:$0x12] =	wrdreg s17  }
0x14: {  	s21 =	simm.s32 $0x9880;
	s22 =	simm.s32 $0xA080;
	[dreg:$0x13] =	wrdreg s18  }
0x15: {  	s23 =	simm.s32 $0xA880;
	s24 =	simm.s32 $0xB880;
	[dreg:$0x14] =	wrdreg s19  }
0x16: {  	s28 =	simm.s32 $0x16080;
	s29 =	simm.s32 $0x16880;
	[dreg:$0x15] =	wrdreg s20  }
0x17: {  	s30 =	simm.s32 $0x17080;
	s31 =	simm.s32 $0x17880;
	[dreg:$0x16] =	wrdreg s21  }
0x18: {  	s4 =	smul.u32 $0x300, s3;
	s3 =	sadd.s32 s3, s5;
	[dreg:$0x17] =	wrdreg s22  }
0x19: {  	s1 =	ssub.s32 $0x2, s1;
	s3 =	sadd.s32 $0x122400, s3;
	[dreg:$0x18] =	wrdreg s23  }
0x1a: {  	s6 =	sshrl.u32 s1, $0x1;
	s7 =	simm.s32 $0xB080;
	[dreg:$0x1a] =	wrdreg s24  }
0x1b: {  	s8 =	simm.s32 $0x80;
	s26 =	simm.s32 $0xC880;
	s10 =	simm.s32 $0xD880  }
0x1c: {  	s11 =	simm.s32 $0xE080;
	s12 =	simm.s32 $0xE880;
	s13 =	simm.s32 $0xF080  }
0x1d: {  	s14 =	simm.s32 $0xF880;
	s15 =	simm.s32 $0x10080;
	s16 =	simm.s32 $0x10880  }
0x1e: {  	s17 =	simm.s32 $0x11080;
	s18 =	simm.s32 $0x11880;
	s19 =	simm.s32 $0x12080  }
0x1f: {  	s20 =	simm.s32 $0x12880;
	s21 =	simm.s32 $0x13080;
	s22 =	simm.s32 $0x13880  }
0x20: {  	s23 =	simm.s32 $0x14080;
	s24 =	simm.s32 $0x14880;
	[dreg:$0x2] =	wrdreg s3  }
0x21: {  	s4 =	sadd.s32 s4, s5;
	s3 =	sadd.s32 $0x122600, s5;
	[dreg:$0x19] =	wrdreg s7  }
0x22: {  	s1 =	ssub.s32 s1, s6;
	s7 =	simm.s32 $0x2;
	[dreg:$0x1c] =	wrdreg s26  }
0x23: {  	s26 =	simm.s32 $0x15880;
	s25 =	sadd.s32 $0x2000, s4;
	s4 =	simm.s32 $0x1880  }
0x24: {  	v2 =	vlaneseq.u32;
	s6 =	smax.u32 s1, $0x1;
	s1 =	simm.s32 $0x1;
	[dreg:$0x3] =	wrdreg s25  }
0x25: {  	vm0 =	vmmov $0xffff;
	v1 =	vshrl.u32 v2, $0x3;
	[dreg:$0x6] =	wrdreg s4;
	s4 =	sadd.s32 $0x122700, s5;
	s25 =	simm.s32 $0xC080  }
0x26: {  	v0 =	vand.u32 $0x7, v2;
	v2 =	vor.u32 $0x8, v2;
	v1 =	vmul.u32 $0x8, v1;
	s5 =	sadd.s32 $0x122800, s5;
	[dreg:$0x1b] =	wrdreg s25;
	s25 =	simm.s32 $0x15080  }
.LBB2_1:
0x27: {  	s0 =	rddreg [dreg:$0x2]  }
0x28: {  	[tilespmem:s2], [sflag:$0x2] =	stream.linear.gather [hbm4b:s0+s2], $0x80, $0x38;
	[tilespmem:$0x18080] =	vst v63  }
0x29: {  	_ =	swait.ge [sflag:s7], $0x80  }
0x2a: {  	[sflag:s7] =	ssyncset.done $0x0  }
0x2b: {  	[sflag:s7] =	ssyncadd.s32 $0xFFFFFF80  }
0x2c: {  	v3 =	vld [tilespmem:$0x0];
	_ =	sdelay $0x4  }
0x2d: {  	v4 =	vshrl.u32 v3, $0x3  }
0x2e: {  	v4 =	vmul.u32 $0x30, v4  }
0x2f: {  	v3 =	vand.u32 $0x7, v3  }
0x30: {  	v3 =	vor.u32 v3, v4  }
0x31: {  	v4 =	vperm.xlane v3, v0;
	_ =	sdelay $0x1  }
0x32: {  	v4 =	vadd.s32 v1, v4;
	_ =	sdelay $0x3  }
0x33: {  	v3 =	vperm.xlane v3, v2  }
0x34: {  	[tilespmem:s8], [sflag:$0x1] =	stream.indirect_vreg.gather [hbm4b:s3+s2], $0x80, v4, vm0, $0xb8;
	[tilespmem:$0x18080] =	vst v63  }
0x35: {  	s0 =	rddreg [dreg:$0x4];
	v3 =	vadd.s32 v1, v3  }
0x36: {  	[tilespmem:s0], [sflag:$0x1] =	stream.indirect_vreg.gather [hbm4b:s4+s2], $0x80, v4, vm0, $0xb8;
	[tilespmem:$0x18080] =	vst v63  }
0x37: {  	s9 =	rddreg [dreg:$0x5]  }
0x38: {  	[tilespmem:s9], [sflag:$0x1] =	stream.indirect_vreg.gather [hbm4b:s5+s2], $0x80, v4, vm0, $0xb8;
	[tilespmem:$0x18080] =	vst v63  }
0x39: {  	s0 =	rddreg [dreg:$0x6]  }
0x3a: {  	[tilespmem:s0], [sflag:$0x1] =	stream.indirect_vreg.gather [hbm4b:s3+s2], $0x80, v3, vm0, $0xb8;
	[tilespmem:$0x18080] =	vst v63  }
0x3b: {  	s9 =	rddreg [dreg:$0x7]  }
0x3c: {  	[tilespmem:s9], [sflag:$0x1] =	stream.indirect_vreg.gather [hbm4b:s4+s2], $0x80, v3, vm0, $0xb8;
	[tilespmem:$0x18080] =	vst v63  }
0x3d: {  	s0 =	rddreg [dreg:$0x8]  }
0x3e: {  	[tilespmem:s0], [sflag:$0x1] =	stream.indirect_vreg.gather [hbm4b:s5+s2], $0x80, v3, vm0, $0xb8;
	[tilespmem:$0x18080] =	vst v63  }
0x3f: {  	v3 =	vld [tilespmem:$0x10];
	_ =	sdelay $0x4  }
0x40: {  	v57 =	vshrl.u32 v3, $0x3  }
0x41: {  	v4 =	vmul.u32 $0x30, v57  }
0x42: {  	v3 =	vand.u32 $0x7, v3  }
0x43: {  	v3 =	vor.u32 v3, v4  }
0x44: {  	v4 =	vperm.xlane v3, v0;
	_ =	sdelay $0x1  }
0x45: {  	v4 =	vadd.s32 v1, v4;
	_ =	sdelay $0x3  }
0x46: {  	s0 =	rddreg [dreg:$0x9];
	v3 =	vperm.xlane v3, v2  }
0x47: {  	[tilespmem:s0], [sflag:$0x1] =	stream.indirect_vreg.gather [hbm4b:s3+s2], $0x80, v4, vm0, $0xb8;
	[tilespmem:$0x18080] =	vst v63  }
0x48: {  	s9 =	rddreg [dreg:$0xa];
	v3 =	vadd.s32 v1, v3  }
0x49: {  	[tilespmem:s9], [sflag:$0x1] =	stream.indirect_vreg.gather [hbm4b:s4+s2], $0x80, v4, vm0, $0xb8;
	[tilespmem:$0x18080] =	vst v63  }
0x4a: {  	s0 =	rddreg [dreg:$0xb]  }
0x4b: {  	[tilespmem:s0], [sflag:$0x1] =	stream.indirect_vreg.gather [hbm4b:s5+s2], $0x80, v4, vm0, $0xb8;
	[tilespmem:$0x18080] =	vst v63  }
0x4c: {  	s9 =	rddreg [dreg:$0xc]  }
0x4d: {  	[tilespmem:s9], [sflag:$0x1] =	stream.indirect_vreg.gather [hbm4b:s3+s2], $0x80, v3, vm0, $0xb8;
	[tilespmem:$0x18080] =	vst v63  }
0x4e: {  	s0 =	rddreg [dreg:$0xd]  }
0x4f: {  	[tilespmem:s0], [sflag:$0x1] =	stream.indirect_vreg.gather [hbm4b:s4+s2], $0x80, v3, vm0, $0xb8;
	[tilespmem:$0x18080] =	vst v63  }
0x50: {  	s9 =	rddreg [dreg:$0xe]  }
0x51: {  	[tilespmem:s9], [sflag:$0x1] =	stream.indirect_vreg.gather [hbm4b:s5+s2], $0x80, v3, vm0, $0xb8;
	[tilespmem:$0x18080] =	vst v63  }
0x52: {  	v3 =	vld [tilespmem:$0x20];
	_ =	sdelay $0x4  }
0x53: {  	v58 =	vshrl.u32 v3, $0x3  }
0x54: {  	v4 =	vmul.u32 $0x30, v58  }
0x55: {  	v3 =	vand.u32 $0x7, v3  }
0x56: {  	v3 =	vor.u32 v3, v4  }
0x57: {  	v4 =	vperm.xlane v3, v0;
	_ =	sdelay $0x1  }
0x58: {  	v4 =	vadd.s32 v1, v4;
	_ =	sdelay $0x3  }
0x59: {  	s0 =	rddreg [dreg:$0xf];
	v3 =	vperm.xlane v3, v2  }
0x5a: {  	[tilespmem:s0], [sflag:$0x1] =	stream.indirect_vreg.gather [hbm4b:s3+s2], $0x80, v4, vm0, $0xb8;
	[tilespmem:$0x18080] =	vst v63  }
0x5b: {  	s9 =	rddreg [dreg:$0x10];
	v3 =	vadd.s32 v1, v3  }
0x5c: {  	[tilespmem:s9], [sflag:$0x1] =	stream.indirect_vreg.gather [hbm4b:s4+s2], $0x80, v4, vm0, $0xb8;
	[tilespmem:$0x18080] =	vst v63  }
0x5d: {  	s0 =	rddreg [dreg:$0x11]  }
0x5e: {  	[tilespmem:s0], [sflag:$0x1] =	stream.indirect_vreg.gather [hbm4b:s5+s2], $0x80, v4, vm0, $0xb8;
	[tilespmem:$0x18080] =	vst v63  }
0x5f: {  	s9 =	rddreg [dreg:$0x12]  }
0x60: {  	[tilespmem:s9], [sflag:$0x1] =	stream.indirect_vreg.gather [hbm4b:s3+s2], $0x80, v3, vm0, $0xb8;
	[tilespmem:$0x18080] =	vst v63  }
0x61: {  	s0 =	rddreg [dreg:$0x13]  }
0x62: {  	[tilespmem:s0], [sflag:$0x1] =	stream.indirect_vreg.gather [hbm4b:s4+s2], $0x80, v3, vm0, $0xb8;
	[tilespmem:$0x18080] =	vst v63  }
0x63: {  	s9 =	rddreg [dreg:$0x14]  }
0x64: {  	[tilespmem:s9], [sflag:$0x1] =	stream.indirect_vreg.gather [hbm4b:s5+s2], $0x80, v3, vm0, $0xb8;
	[tilespmem:$0x18080] =	vst v63  }
0x65: {  	v3 =	vld [tilespmem:$0x30];
	_ =	sdelay $0x4  }
0x66: {  	v59 =	vshrl.u32 v3, $0x3  }
0x67: {  	v4 =	vmul.u32 $0x30, v59  }
0x68: {  	v3 =	vand.u32 $0x7, v3  }
0x69: {  	v3 =	vor.u32 v3, v4  }
0x6a: {  	v4 =	vperm.xlane v3, v0;
	_ =	sdelay $0x1  }
0x6b: {  	v4 =	vadd.s32 v1, v4;
	_ =	sdelay $0x3  }
0x6c: {  	s0 =	rddreg [dreg:$0x15];
	v3 =	vperm.xlane v3, v2  }
0x6d: {  	[tilespmem:s0], [sflag:$0x1] =	stream.indirect_vreg.gather [hbm4b:s3+s2], $0x80, v4, vm0, $0xb8;
	[tilespmem:$0x18080] =	vst v63  }
0x6e: {  	s9 =	rddreg [dreg:$0x16];
	v3 =	vadd.s32 v1, v3  }
0x6f: {  	[tilespmem:s9], [sflag:$0x1] =	stream.indirect_vreg.gather [hbm4b:s4+s2], $0x80, v4, vm0, $0xb8;
	[tilespmem:$0x18080] =	vst v63  }
0x70: {  	s0 =	rddreg [dreg:$0x17]  }
0x71: {  	[tilespmem:s0], [sflag:$0x1] =	stream.indirect_vreg.gather [hbm4b:s5+s2], $0x80, v4, vm0, $0xb8;
	[tilespmem:$0x18080] =	vst v63  }
0x72: {  	s9 =	rddreg [dreg:$0x18]  }
0x73: {  	[tilespmem:s9], [sflag:$0x1] =	stream.indirect_vreg.gather [hbm4b:s3+s2], $0x80, v3, vm0, $0xb8;
	[tilespmem:$0x18080] =	vst v63  }
0x74: {  	s0 =	rddreg [dreg:$0x19]  }
0x75: {  	[tilespmem:s0], [sflag:$0x1] =	stream.indirect_vreg.gather [hbm4b:s4+s2], $0x80, v3, vm0, $0xb8;
	[tilespmem:$0x18080] =	vst v63  }
0x76: {  	s9 =	rddreg [dreg:$0x1a]  }
0x77: {  	[tilespmem:s9], [sflag:$0x1] =	stream.indirect_vreg.gather [hbm4b:s5+s2], $0x80, v3, vm0, $0xb8;
	[tilespmem:$0x18080] =	vst v63  }
0x78: {  	v3 =	vld [tilespmem:$0x40];
	_ =	sdelay $0x4  }
0x79: {  	v60 =	vshrl.u32 v3, $0x3  }
0x7a: {  	v4 =	vmul.u32 $0x30, v60  }
0x7b: {  	v3 =	vand.u32 $0x7, v3  }
0x7c: {  	v3 =	vor.u32 v3, v4  }
0x7d: {  	v4 =	vperm.xlane v3, v0;
	_ =	sdelay $0x1  }
0x7e: {  	v4 =	vadd.s32 v1, v4;
	_ =	sdelay $0x3  }
0x7f: {  	s0 =	rddreg [dreg:$0x1b];
	v3 =	vperm.xlane v3, v2  }
0x80: {  	[tilespmem:s0], [sflag:$0x1] =	stream.indirect_vreg.gather [hbm4b:s3+s2], $0x80, v4, vm0, $0xb8;
	[tilespmem:$0x18080] =	vst v63  }
0x81: {  	s9 =	rddreg [dreg:$0x1c];
	v3 =	vadd.s32 v1, v3  }
0x82: {  	[tilespmem:s9], [sflag:$0x1] =	stream.indirect_vreg.gather [hbm4b:s4+s2], $0x80, v4, vm0, $0xb8;
	[tilespmem:$0x18080] =	vst v63  }
0x83: {  	s9 =	simm.s32 $0xD080  }
0x84: {  	[tilespmem:s9], [sflag:$0x1] =	stream.indirect_vreg.gather [hbm4b:s5+s2], $0x80, v4, vm0, $0xb8;
	[tilespmem:$0x18080] =	vst v63  }
0x85: {  	_ = 	snop  }
0x86: {  	[tilespmem:s10], [sflag:$0x1] =	stream.indirect_vreg.gather [hbm4b:s3+s2], $0x80, v3, vm0, $0xb8;
	[tilespmem:$0x18080] =	vst v63  }
0x87: {  	_ = 	snop  }
0x88: {  	[tilespmem:s11], [sflag:$0x1] =	stream.indirect_vreg.gather [hbm4b:s4+s2], $0x80, v3, vm0, $0xb8;
	[tilespmem:$0x18080] =	vst v63  }
0x89: {  	_ = 	snop  }
0x8a: {  	[tilespmem:s12], [sflag:$0x1] =	stream.indirect_vreg.gather [hbm4b:s5+s2], $0x80, v3, vm0, $0xb8;
	[tilespmem:$0x18080] =	vst v63  }
0x8b: {  	v3 =	vld [tilespmem:$0x50];
	_ =	sdelay $0x4  }
0x8c: {  	v61 =	vshrl.u32 v3, $0x3  }
0x8d: {  	v4 =	vmul.u32 $0x30, v61  }
0x8e: {  	v3 =	vand.u32 $0x7, v3  }
0x8f: {  	v3 =	vor.u32 v3, v4  }
0x90: {  	v4 =	vperm.xlane v3, v0;
	_ =	sdelay $0x1  }
0x91: {  	v4 =	vadd.s32 v1, v4;
	_ =	sdelay $0x3  }
0x92: {  	v3 =	vperm.xlane v3, v2  }
0x93: {  	[tilespmem:s13], [sflag:$0x1] =	stream.indirect_vreg.gather [hbm4b:s3+s2], $0x80, v4, vm0, $0xb8;
	[tilespmem:$0x18080] =	vst v63  }
0x94: {  	v3 =	vadd.s32 v1, v3  }
0x95: {  	[tilespmem:s14], [sflag:$0x1] =	stream.indirect_vreg.gather [hbm4b:s4+s2], $0x80, v4, vm0, $0xb8;
	[tilespmem:$0x18080] =	vst v63  }
0x96: {  	_ = 	snop  }
0x97: {  	[tilespmem:s15], [sflag:$0x1] =	stream.indirect_vreg.gather [hbm4b:s5+s2], $0x80, v4, vm0, $0xb8;
	[tilespmem:$0x18080] =	vst v63  }
0x98: {  	_ = 	snop  }
0x99: {  	[tilespmem:s16], [sflag:$0x1] =	stream.indirect_vreg.gather [hbm4b:s3+s2], $0x80, v3, vm0, $0xb8;
	[tilespmem:$0x18080] =	vst v63  }
0x9a: {  	_ = 	snop  }
0x9b: {  	[tilespmem:s17], [sflag:$0x1] =	stream.indirect_vreg.gather [hbm4b:s4+s2], $0x80, v3, vm0, $0xb8;
	[tilespmem:$0x18080] =	vst v63  }
0x9c: {  	_ = 	snop  }
0x9d: {  	[tilespmem:s18], [sflag:$0x1] =	stream.indirect_vreg.gather [hbm4b:s5+s2], $0x80, v3, vm0, $0xb8;
	[tilespmem:$0x18080] =	vst v63  }
0x9e: {  	v3 =	vld [tilespmem:$0x60];
	_ =	sdelay $0x4  }
0x9f: {  	v62 =	vshrl.u32 v3, $0x3  }
0xa0: {  	v4 =	vmul.u32 $0x30, v62  }
0xa1: {  	v3 =	vand.u32 $0x7, v3  }
0xa2: {  	v3 =	vor.u32 v3, v4  }
0xa3: {  	v4 =	vperm.xlane v3, v0;
	_ =	sdelay $0x1  }
0xa4: {  	v4 =	vadd.s32 v1, v4;
	_ =	sdelay $0x3  }
0xa5: {  	v3 =	vperm.xlane v3, v2  }
0xa6: {  	[tilespmem:s19], [sflag:$0x1] =	stream.indirect_vreg.gather [hbm4b:s3+s2], $0x80, v4, vm0, $0xb8;
	[tilespmem:$0x18080] =	vst v63  }
0xa7: {  	v3 =	vadd.s32 v1, v3  }
0xa8: {  	[tilespmem:s20], [sflag:$0x1] =	stream.indirect_vreg.gather [hbm4b:s4+s2], $0x80, v4, vm0, $0xb8;
	[tilespmem:$0x18080] =	vst v63  }
0xa9: {  	_ = 	snop  }
0xaa: {  	[tilespmem:s21], [sflag:$0x1] =	stream.indirect_vreg.gather [hbm4b:s5+s2], $0x80, v4, vm0, $0xb8;
	[tilespmem:$0x18080] =	vst v63  }
0xab: {  	_ = 	snop  }
0xac: {  	[tilespmem:s22], [sflag:$0x1] =	stream.indirect_vreg.gather [hbm4b:s3+s2], $0x80, v3, vm0, $0xb8;
	[tilespmem:$0x18080] =	vst v63  }
0xad: {  	_ = 	snop  }
0xae: {  	[tilespmem:s23], [sflag:$0x1] =	stream.indirect_vreg.gather [hbm4b:s4+s2], $0x80, v3, vm0, $0xb8;
	[tilespmem:$0x18080] =	vst v63  }
0xaf: {  	_ = 	snop  }
0xb0: {  	[tilespmem:s24], [sflag:$0x1] =	stream.indirect_vreg.gather [hbm4b:s5+s2], $0x80, v3, vm0, $0xb8;
	[tilespmem:$0x18080] =	vst v63  }
0xb1: {  	v3 =	vld [tilespmem:$0x70];
	_ =	sdelay $0x4  }
0xb2: {  	v63 =	vshrl.u32 v3, $0x3  }
0xb3: {  	v4 =	vmul.u32 $0x30, v63  }
0xb4: {  	v3 =	vand.u32 $0x7, v3  }
0xb5: {  	v3 =	vor.u32 v3, v4  }
0xb6: {  	v4 =	vperm.xlane v3, v0;
	_ =	sdelay $0x1  }
0xb7: {  	v4 =	vadd.s32 v1, v4;
	_ =	sdelay $0x3  }
0xb8: {  	v3 =	vperm.xlane v3, v2  }
0xb9: {  	[tilespmem:s25], [sflag:$0x1] =	stream.indirect_vreg.gather [hbm4b:s3+s2], $0x80, v4, vm0, $0xb8;
	[tilespmem:$0x18080] =	vst v63  }
0xba: {  	v3 =	vadd.s32 v1, v3  }
0xbb: {  	[tilespmem:s26], [sflag:$0x1] =	stream.indirect_vreg.gather [hbm4b:s4+s2], $0x80, v4, vm0, $0xb8;
	[tilespmem:$0x18080] =	vst v63  }
0xbc: {  	_ = 	snop  }
0xbd: {  	[tilespmem:s28], [sflag:$0x1] =	stream.indirect_vreg.gather [hbm4b:s5+s2], $0x80, v4, vm0, $0xb8;
	[tilespmem:$0x18080] =	vst v63  }
0xbe: {  	_ = 	snop  }
0xbf: {  	[tilespmem:s29], [sflag:$0x1] =	stream.indirect_vreg.gather [hbm4b:s3+s2], $0x80, v3, vm0, $0xb8;
	[tilespmem:$0x18080] =	vst v63  }
0xc0: {  	_ = 	snop  }
0xc1: {  	[tilespmem:s30], [sflag:$0x1] =	stream.indirect_vreg.gather [hbm4b:s4+s2], $0x80, v3, vm0, $0xb8;
	[tilespmem:$0x18080] =	vst v63  }
0xc2: {  	_ = 	snop  }
0xc3: {  	[tilespmem:s31], [sflag:$0x1] =	stream.indirect_vreg.gather [hbm4b:s5+s2], $0x80, v3, vm0, $0xb8;
	[tilespmem:$0x18080] =	vst v63  }
0xc4: {  	_ =	swait.ge [sflag:s1], $0x18000  }
0xc5: {  	p0 =	sne.s32 s6, $0x1;
	[sflag:s1] =	ssyncset.done $0x0  }
.Ltmp0:
0xc6: {  	s9 =	rddreg [dreg:$0x3];
	[sflag:s1] =	ssyncadd.s32 $0xFFFE8000;
	(pc) =	sbr.rel @p0 .LBB2_1-.Ltmp0, $4  }
0xc7: {  	[hbm4b:s9+s2] =	stream.linear.scatter [tilespmem:s8], [sflag:$0x2], $0x18000, $0x38;
	[tilespmem:$0x18080] =	vst v63  }
0xc8: {  	_ =	swait.ge [sflag:s7], $0x18000  }
0xc9: {  	[sflag:s7] =	ssyncset.done $0x0  }
0xca: {  	s6 =	sadd.s32 $0xFFFFFFFF, s6;
	[sflag:s7] =	ssyncadd.s32 $0xFFFE8000  }
0xcb: {  	_ =	sfence.sel $0x180000  }
0xcc: {  	[bflag:$0x0] =	sbarrier.arrive $0xFFFF  }
0xcd: {  	_ =	strace $0x9000004A  }
0xce: {  	s0 =	stileid.u32;
	[bflag:$0x2] =	sbarrier.arrive $0xFFFF  }
0xcf: {  	p0 =	sne.s32 s0, $0x0;
	s0 =	rddreg [dreg:$0x1]  }
0xd0: {  	s0 =	sadd.s32 @!p0 $0x100000, s0  }
0xd1: {  	[sflag:s0] =	ssyncadd.tile.s32 @!p0 $0x1;
	_ =	shalt  }
.Lfunc_end2:
_tile_overlayer_lowered:
.L_overlay_start_2:
0xd2: {  	(tag) =	ssettag $0x2  }
0xd3: {  	s0 =	rddreg [dreg:$0x0];
	s2 =	stileid.u32  }
0xd4: {  	s1 =	rddreg [dreg:$0x1];
	p0 =	sne.s32 s2, $0x0  }
0xd5: {  	s3 =	rddreg [dreg:$0x2];
	[bflag:$0x3] =	sbarrier.arrive $0xFFFF;
	s2 =	simm.s32 @!p0 $0x1C02  }
0xd6: {  	[timem:s3], [sflag:s2] =	dma.local @!p0 [hbm:s0], s1  }
0xd7: {  	s0 =	simm.s32 @!p0 $0x2  }
0xd8: {  	_ =	swait.ge @!p0 [sflag:s0], s1  }
0xd9: {  	s1 =	ssub.s32 @!p0 $0x0, s1;
	[sflag:s0] =	ssyncset.done @!p0 $0x0  }
0xda: {  	[sflag:s0] =	ssyncadd.s32 @!p0 s1  }
0xdb: {  	[bflag:$0x3] =	sbarrier.arrive $0xFFFF  }
0xdc: {  	_ =	shalt  }

// kernel: kernel.7.cloned.1.call-start
scs
__scs_entry_jumppad:
0x0: {  	(pc) =	sbr.rel $0x88, $3  }
0x1: {  	(tag) =	ssettag $0x0;
	lr =	simm.s32 $0x1  }
0x2: {  	[smem:$0x3F99] =	sst lr;
	_ =	strace $0xD0000000  }
0x3: {  	_ = 	snop  }
0x4: {  	_ = 	snop  }
0x5: {  	_ = 	snop  }
0x6: {  	_ = 	snop  }
0x7: {  	_ = 	snop  }
__scs_overlays_trampoline_lowered:
0x8: {  	[smem:$0x3FA8] =	sst s0  }
0x9: {  	[smem:$0x3FA9] =	sst s1  }
0xa: {  	[smem:$0x3FAA] =	sst s2  }
0xb: {  	[smem:$0x3FAB] =	sst s3  }
0xc: {  	[smem:$0x3FAC] =	sst s4  }
0xd: {  	[smem:$0x3FAD] =	sst s5  }
0xe: {  	[smem:$0x3FAE] =	sst s6  }
0xf: {  	[smem:$0x3FAF] =	sst s7  }
0x10: {  	[smem:$0x3FB0] =	sst s8  }
0x11: {  	[smem:$0x3FB1] =	sst s9;
	s0 =	simm.s32 @!p0 $0x0  }
0x12: {  	s1 =	sld [smem:$0x3F97];
	s0 =	simm.s32 @p0 $0x1  }
0x13: {  	[smem:$0x3FB2] =	sst s0;
	s0 =	simm.s32 @!p1 $0x0  }
0x14: {  	s2 =	sld [smem:$0x3F96];
	s0 =	simm.s32 @p1 $0x1  }
0x15: {  	[smem:$0x3FB3] =	sst s0;
	s0 =	simm.s32 @!p2 $0x0  }
0x16: {  	s3 =	sld [smem:$0x3FDB];
	s0 =	simm.s32 @p2 $0x1  }
0x17: {  	s4 =	simm.s32 $0x1BF5;
	[smem:$0x3FB5] =	sst s0  }
0x18: {  	s0 =	sld [smem:$0x3F98];
	_ =	swait.ge [sflag:s4], $0x0  }
0x19: {  	s7 =	sld [smem:$0x3F99]  }
0x1a: {  	s8 =	sadd.s32 $0xFFFFE003, lr  }
0x1b: {  	s9 =	sadd.s32 $0xFFFFFEF7, lr;
	s5 =	simm.s32 $0xFFFFFFFF;
	p2 =	slt.u32 s8, $0xFFFFF086  }
0x1c: {  	p1 =	slt.u32 s9, $0xF7A;
	s5 =	simm.s32 @!p2 $0x0  }
0x1d: {  	s5 =	simm.s32 @p1 $0x1;
	p0 =	seq.s32 s7, s2  }
0x1e: {  	s7 =	smul.u32 @!p0 $0xF7A, s2;
	p2 =	seq.s32 @!p0 s5, $0x0  }
0x1f: {  	s9 =	smul.u32 $0xF7A, s1;
	s8 =	simm.s32 @!p0 $0x1BF5;
	p2 =	por !p2, p0  }
0x20: {  	[sflag:s8] =	ssyncset.s32 @!p0 $0xFFFFF086;
	s6 =	sadd.s32 @!p0 s3, s7;
	s7 =	simm.s32 @!p0 $0x108  }
0x21: {  	s3 =	sadd.s32 s3, s9;
	s6 =	sadd.s32 @!p0 $0x88, s6;
	s7 =	simm.s32 @p2 $0x1082  }
0x22: {  	[simem:s7], [sflag:s8] =	dma.local @!p0 [hbm:s6], $0xF7A  }
0x23: {  	s9 =	sor.u32 $0xD0000000, s2;
	s6 =	simm.s32 $0x108;
	_ =	swait.ge @!p0 [sflag:s8], $0x0  }
0x24: {  	s3 =	sadd.s32 $0x88, s3;
	s6 =	simm.s32 @!p1 $0x1082;
	[sflag:s4] =	ssyncset.s32 $0xFFFFF086  }
0x25: {  	[simem:s6], [sflag:s4] =	dma.local [hbm:s3], $0xF7A  }
0x26: {  	[smem:$0x3F99] =	sst s1;
	(tag) =	ssettag s2;
	_ =	strace s9  }
0x27: {  	s1 =	sld [smem:$0x3FA9]  }
0x28: {  	s2 =	sld [smem:$0x3FAA]  }
0x29: {  	s4 =	sld [smem:$0x3FAC]  }
0x2a: {  	p0 =	seq.s32 s5, $0x0;
	s5 =	sld [smem:$0x3FAD]  }
0x2b: {  	s6 =	sld [smem:$0x3FAE]  }
0x2c: {  	s7 =	sld [smem:$0x3FAF]  }
0x2d: {  	s3 =	simm.s32 $0x108;
	s8 =	sld [smem:$0x3FB0]  }
0x2e: {  	s3 =	simm.s32 @!p0 $0x1082;
	s9 =	sld [smem:$0x3FB1]  }
0x2f: {  	lr =	sadd.s32 s0, s3;
	s0 =	sld [smem:$0x3FA8]  }
0x30: {  	s3 =	sld [smem:$0x3FAB]  }
0x31: {  	[smem:$0x3FB4] =	sst s10  }
0x32: {  	s10 =	sld [smem:$0x3FB2];
	_ =	sdelay $0x3  }
0x33: {  	p0 =	seq.s32 s10, $0x1;
	s10 =	sld [smem:$0x3FB4];
	_ =	sdelay $0x3  }
0x34: {  	[smem:$0x3FB4] =	sst s10  }
0x35: {  	s10 =	sld [smem:$0x3FB3];
	_ =	sdelay $0x3  }
0x36: {  	p1 =	seq.s32 s10, $0x1;
	s10 =	sld [smem:$0x3FB4];
	_ =	sdelay $0x3  }
0x37: {  	[smem:$0x3FB4] =	sst s10  }
0x38: {  	s10 =	sld [smem:$0x3FB5]  }
0x39: {  	_ = 	snop;
	(pc) =	sbr.ind lr, $3  }
0x3a: {  	_ = 	snop  }
0x3b: {  	_ = 	snop  }
0x3c: {  	p2 =	seq.s32 s10, $0x1;
	s10 =	sld [smem:$0x3FB4]  }
0x3d: {  	_ =	shalt  }
0x3e: {  	_ =	shalt  }
0x3f: {  	_ =	shalt  }
0x40: {  	_ =	shalt  }
0x41: {  	_ =	shalt  }
0x42: {  	_ =	shalt  }
0x43: {  	_ =	shalt  }
0x44: {  	_ =	shalt  }
0x45: {  	_ =	shalt  }
0x46: {  	_ =	shalt  }
0x47: {  	_ =	shalt  }
0x48: {  	_ =	shalt  }
0x49: {  	_ =	shalt  }
0x4a: {  	_ =	shalt  }
0x4b: {  	_ =	shalt  }
0x4c: {  	_ =	shalt  }
0x4d: {  	_ =	shalt  }
0x4e: {  	_ =	shalt  }
0x4f: {  	_ =	shalt  }
0x50: {  	_ =	shalt  }
0x51: {  	_ =	shalt  }
0x52: {  	_ =	shalt  }
0x53: {  	_ =	shalt  }
0x54: {  	_ =	shalt  }
0x55: {  	_ =	shalt  }
0x56: {  	_ =	shalt  }
0x57: {  	_ =	shalt  }
0x58: {  	_ =	shalt  }
0x59: {  	_ =	shalt  }
0x5a: {  	_ =	shalt  }
0x5b: {  	_ =	shalt  }
0x5c: {  	_ =	shalt  }
0x5d: {  	_ =	shalt  }
0x5e: {  	_ =	shalt  }
0x5f: {  	_ =	shalt  }
0x60: {  	_ =	shalt  }
0x61: {  	_ =	shalt  }
0x62: {  	_ =	shalt  }
0x63: {  	_ =	shalt  }
0x64: {  	_ =	shalt  }
0x65: {  	_ =	shalt  }
0x66: {  	_ =	shalt  }
0x67: {  	_ =	shalt  }
0x68: {  	_ =	shalt  }
0x69: {  	_ =	shalt  }
0x6a: {  	_ =	shalt  }
0x6b: {  	_ =	shalt  }
0x6c: {  	_ =	shalt  }
0x6d: {  	_ =	shalt  }
0x6e: {  	_ =	shalt  }
0x6f: {  	_ =	shalt  }
0x70: {  	_ =	shalt  }
0x71: {  	_ =	shalt  }
0x72: {  	_ =	shalt  }
0x73: {  	_ =	shalt  }
0x74: {  	_ =	shalt  }
0x75: {  	_ =	shalt  }
0x76: {  	_ =	shalt  }
0x77: {  	_ =	shalt  }
0x78: {  	_ =	shalt  }
0x79: {  	_ =	shalt  }
0x7a: {  	_ =	shalt  }
0x7b: {  	_ =	shalt  }
0x7c: {  	_ =	shalt  }
0x7d: {  	_ =	shalt  }
0x7e: {  	_ =	shalt  }
0x7f: {  	_ =	shalt  }
0x80: {  	_ =	shalt  }
0x81: {  	_ =	shalt  }
0x82: {  	_ =	shalt  }
0x83: {  	_ =	shalt  }
0x84: {  	_ =	shalt  }
0x85: {  	_ =	shalt  }
0x86: {  	_ =	shalt  }
0x87: {  	_ =	shalt  }
.Lfunc_end0:
.L_simem_size_0:
called_computation_lowered:
.L_overlay_start_0:
0x88: {  	s2 =	sld [smem:$0x3FD9]  }
0x89: {  	s3 =	sld [smem:$0x3FFE];
	_ =	sdelay $0x1  }
0x8a: {  	s1 =	srdreg.scid  }
0x8b: {  	s0 =	sand.u32 $0x1, s1  }
0x8c: {  	s17 =	sshll.u32 s0, $0xA;
	s2 =	sadd.s32 s3, s2  }
0x8d: {  	s2 =	sadd.s32 s2, s17  }
0x8e: {  	[smem:$0x3FC0] =	sst s2  }
0x8f: {  	_ = 	snop  }
0x90: {  	s2 =	sld [smem:$0x3FC9]  }
0x91: {  	s18 =	sld [smem:$0x3FD0];
	(tm) =	ssettm $0x1  }
0x92: {  	s4 =	sld [smem:$0x3FFB];
	_ =	sdelay $0x3  }
0x93: {  	_ =	strace s4  }
0x94: {  	s4 =	sld [smem:$0x3FFC];
	_ =	sdelay $0x3  }
0x95: {  	_ =	strace s4  }
0x96: {  	s4 =	sld [smem:$0x3FFD];
	_ =	sdelay $0x3  }
0x97: {  	_ =	strace s4  }
0x98: {  	_ =	strace $0x8FFFFFFF  }
0x99: {  	s19 =	sld [smem:$0x3FDB];
	_ =	sdelay $0x1  }
0x9a: {  	s5 =	simm.s32 $_scs_section_size  }
0x9b: {  	s6 =	simm.s32 $_size__tile_overlayer_lowered;
	s7 =	simm.s32 $_tile_overlayer_lowered  }
0x9c: {  	s22 =	simm.s32 $0x1BFF;
	s21 =	sshll.u32 s7, $0x1;
	s4 =	sadd.s32 s5, s19  }
0x9d: {  	s8 =	simm.s32 $0x0;
	s20 =	sshll.u32 s6, $0x1;
	s6 =	sadd.s32 s21, s4  }
0x9e: {  	[timem:s8], [sflag:s22] =	dma.local [hbm:s6], s20  }
0x9f: {  	_ =	swait.ge [sflag:s22], s20  }
0xa0: {  	s5 =	ssub.s32 $0x0, s20;
	[sflag:s22] =	ssyncset.done $0x0  }
0xa1: {  	[sflag:s22] =	ssyncadd.s32 s5;
	_ =	sdelay $0x1  }
0xa2: {  	s23 =	simm.s32 $0x1B8B  }
0xa3: {  	_ =	swait.ge [sflag:s23], $0x1  }
0xa4: {  	[sflag:s23] =	ssyncset.done $0x0  }
0xa5: {  	s25 =	simm.s32 $0x1B8E;
	s24 =	sld [smem:$0x3FFE];
	[sflag:s23] =	ssyncadd.s32 $0xFFFFFFFF  }
0xa6: {  	s26 =	simm.s32 $execute0_lowered;
	[smem:$0x3FD2] =	sst s25  }
0xa7: {  	s6 =	sshll.u32 s26, $0x1;
	_ =	strace $0x80000046;
	[dreg:$0x1] =	wrdreg $0xFFFFFFFF  }
0xa8: {  	s28 =	simm.s32 $_size_execute0_lowered;
	s4 =	sadd.s32 s4, s6;
	[dreg:$0x0] =	wrdreg $0x0  }
0xa9: {  	s6 =	sshll.u32 s28, $0x1;
	[dreg:$0x2] =	wrdreg s4  }
0xaa: {  	[dreg:$0x3] =	wrdreg s6  }
0xab: {  	[dreg:$0x4] =	wrdreg $0xC0  }
0xac: {  	_ =	task [dreg:s8], $0x5FFFF  }
0xad: {  	[dreg:$0x1] =	wrdreg $0xFFFFFFFF  }
0xae: {  	[dreg:$0x0] =	wrdreg $0x60  }
0xaf: {  	[dreg:$0x2] =	wrdreg s18  }
0xb0: {  	[dreg:$0x3] =	wrdreg s24  }
0xb1: {  	[dreg:$0x4] =	wrdreg s2  }
0xb2: {  	[dreg:$0x5] =	wrdreg $0x9  }
0xb3: {  	_ =	task.clear_ibuf [dreg:s8], $0x6FFFF;
	_ =	strace $0x90000046  }
0xb4: {  	s29 =	simm.s32 $0x9;
	_ =	strace $0x80000048  }
0xb5: {  	_ =	swait.ge [sflag:s29], $0x1  }
0xb6: {  	[sflag:s29] =	ssyncadd.s32 $0xFFFFFFFF  }
0xb7: {  	_ =	strace $0x90000048  }
0xb8: {  	_ =	sfence  }
0xb9: {  	s30 =	sld [smem:$0x0];
	_ =	sdelay $0x2  }
0xba: {  	s31 =	sshll.u32 s1, $0xD;
	s1 =	sshrl.u32 s1, $0x2  }
0xbb: {  	s3 =	sand.u32 $0x4000, s31;
	s1 =	sadd.s32 s1, s30  }
0xbc: {  	s0 =	sor.u32 s3, s0;
	s1 =	sshll.u32 s1, $0x11  }
0xbd: {  	s0 =	sor.u32 s1, s0  }
0xbe: {  	s0 =	sadd.s32 $0x8F2B, s0  }
0xbf: {  	[sflag:s0] =	ssyncadd.remote.s32 $0x1  }
0xc0: {  	_ =	sfence.sel $0xFFFF  }
0xc1: {  	[dreg:$0x0] =	wrdreg $0xFFFFFFFF;
	(pc) =	sbr.abs _section_cstart, $3  }
0xc2: {  	[dreg:$0x1] =	wrdreg $0xFFFFFFFF  }
0xc3: {  	_ =	task.clear_ibuf [dreg:s8], $0x2FFFF;
	_ =	strace $0x9FFFFFFF  }
0xc4: {  	(tm) =	ssettm $0x7FFFFFFF  }
0xc5: {  	_ =	shalt  }
tec
execute0_lowered:
.L_overlay_start_1:
0x0: {  	(tag) =	ssettag $0x1  }
0x1: {  	s3 =	rddreg [dreg:$0x0]  }
0x2: {  	s0 =	rddreg [dreg:$0x1]  }
0x3: {  	s4 =	rddreg [dreg:$0x2];
	s2 =	simm.s32 $0x0  }
0x4: {  	[smem:$0x7FF] =	sst s2;
	s6 =	sadd.s32 $0x2200, s0  }
0x5: {  	s21 =	simm.s32 $0x80;
	_ =	strace $0x80000047;
	[dreg:$0x4] =	wrdreg s6  }
0x6: {  	s22 =	simm.s32 $0xA00;
	[dreg:$0x9] =	wrdreg s21  }
0x7: {  	s23 =	simm.s32 $0x1200;
	[dreg:$0xa] =	wrdreg s22  }
0x8: {  	s24 =	simm.s32 $0x1A00;
	[dreg:$0xb] =	wrdreg s23  }
0x9: {  	s25 =	simm.s32 $0x2200;
	[dreg:$0xc] =	wrdreg s24  }
0xa: {  	s1 =	stileid.u32;
	s26 =	simm.s32 $0x2A00;
	[dreg:$0xd] =	wrdreg s25  }
0xb: {  	s7 =	sshll.u32 s1, $0x5;
	s1 =	simm.s32 $0x3200;
	[dreg:$0xe] =	wrdreg s26  }
0xc: {  	s9 =	simm.s32 $0x5A00;
	[dreg:$0xf] =	wrdreg s1  }
0xd: {  	s10 =	simm.s32 $0x6200;
	[dreg:$0x14] =	wrdreg s9  }
0xe: {  	s5 =	srdreg.scid;
	s11 =	simm.s32 $0x6A00;
	[dreg:$0x15] =	wrdreg s10  }
0xf: {  	s12 =	simm.s32 $0x7200;
	s13 =	simm.s32 $0x7A00;
	[dreg:$0x16] =	wrdreg s11  }
0x10: {  	s14 =	simm.s32 $0x8200;
	s15 =	simm.s32 $0x8A00;
	[dreg:$0x17] =	wrdreg s12  }
0x11: {  	s16 =	simm.s32 $0x9200;
	s28 =	simm.s32 $0x16A00;
	[dreg:$0x18] =	wrdreg s13  }
0x12: {  	s29 =	simm.s32 $0x17200;
	s30 =	simm.s32 $0x17A00;
	[dreg:$0x19] =	wrdreg s14  }
0x13: {  	s31 =	simm.s32 $0x1;
	s5 =	sand.u32 $0x1, s5;
	[dreg:$0x1a] =	wrdreg s15  }
0x14: {  	s8 =	sshll.u32 s5, $0x4;
	[dreg:$0x1b] =	wrdreg s16;
	s5 =	ssub.s32 $0x2, s5  }
0x15: {  	s21 =	simm.s32 $0xB200;
	s22 =	simm.s32 $0xBA00;
	s23 =	simm.s32 $0xC200  }
0x16: {  	s24 =	simm.s32 $0xCA00;
	s25 =	simm.s32 $0xD200;
	[dreg:$0x1f] =	wrdreg s21  }
0x17: {  	s26 =	simm.s32 $0xDA00;
	s9 =	simm.s32 $0x200;
	[smem:$0x7F9] =	sst s22  }
0x18: {  	s11 =	simm.s32 $0xEA00;
	s12 =	simm.s32 $0xF200;
	[smem:$0x7FA] =	sst s23  }
0x19: {  	s13 =	simm.s32 $0xFA00;
	s14 =	simm.s32 $0x10200;
	[smem:$0x7FB] =	sst s24  }
0x1a: {  	s15 =	simm.s32 $0x10A00;
	s16 =	simm.s32 $0x11200;
	[smem:$0x7FC] =	sst s25  }
0x1b: {  	s17 =	sor.u32 s8, s7;
	s8 =	simm.s32 $0x5200;
	[smem:$0x7FD] =	sst s26  }
0x1c: {  	s21 =	simm.s32 $0x13A00;
	s22 =	simm.s32 $0x14200;
	s23 =	simm.s32 $0x14A00  }
0x1d: {  	s7 =	sadd.s32 s17, s0;
	s3 =	sadd.s32 s3, s17;
	[dreg:$0x13] =	wrdreg s8  }
0x1e: {  	s6 =	smul.u32 $0x300, s17;
	s17 =	simm.s32 $0x9A00;
	[dreg:$0x5] =	wrdreg s3  }
0x1f: {  	s24 =	simm.s32 $0x15200;
	s18 =	sadd.s32 $0x2000, s7;
	[dreg:$0x1c] =	wrdreg s17  }
0x20: {  	s25 =	simm.s32 $0x15A00;
	s20 =	sadd.s32 $0x122400, s7;
	[dreg:$0x6] =	wrdreg s18  }
0x21: {  	s26 =	simm.s32 $0x16200;
	s7 =	simm.s32 $0x4A00;
	[dreg:$0x8] =	wrdreg s20  }
0x22: {  	s8 =	simm.s32 $0x100;
	s19 =	sadd.s32 s4, s6;
	[dreg:$0x12] =	wrdreg s7  }
0x23: {  	s3 =	sadd.s32 $0x2400, s0;
	s4 =	simm.s32 $0x3A00;
	[dreg:$0x7] =	wrdreg s19  }
0x24: {  	s17 =	simm.s32 $0x11A00;
	s6 =	simm.s32 $0x4200;
	[dreg:$0x10] =	wrdreg s4  }
0x25: {  	s18 =	simm.s32 $0xA200;
	s20 =	simm.s32 $0xAA00;
	[dreg:$0x11] =	wrdreg s6  }
0x26: {  	s7 =	simm.s32 $0x2;
	s19 =	sshrl.u32 s5, $0x1;
	[dreg:$0x1d] =	wrdreg s18  }
0x27: {  	v2 =	vlaneseq.u32;
	[dreg:$0x1e] =	wrdreg s20;
	s4 =	sadd.s32 $0x2500, s0;
	s18 =	simm.s32 $0x12200  }
0x28: {  	vm0 =	vmmov $0xffff;
	v1 =	vshrl.u32 v2, $0x3;
	s20 =	simm.s32 $0x13200;
	s6 =	ssub.s32 s5, s19;
	s5 =	sadd.s32 $0x2600, s0  }
0x29: {  	v0 =	vand.u32 $0x7, v2;
	v2 =	vor.u32 $0x8, v2;
	v1 =	vmul.u32 $0x8, v1;
	s19 =	simm.s32 $0x12A00;
	s0 =	simm.s32 $0x180;
	s6 =	smax.u32 s6, $0x1  }
.LBB2_1:
0x2a: {  	s1 =	rddreg [dreg:$0x5]  }
0x2b: {  	[tilespmem:s2], [sflag:$0x2] =	stream.linear.gather [hbm4b:s1+s2], $0x80, $0x38;
	[tilespmem:$0x18200] =	vst v63  }
0x2c: {  	_ =	swait.ge [sflag:s7], $0x80  }
0x2d: {  	s1 =	rddreg [dreg:$0x6];
	[sflag:s7] =	ssyncset.done $0x0  }
0x2e: {  	s10 =	rddreg [dreg:$0x9];
	[sflag:s7] =	ssyncadd.s32 $0xFFFFFF80  }
0x2f: {  	[tilespmem:s10], [sflag:$0x2] =	stream.linear.gather [hbm4b:s1+s2], $0x80, $0x38;
	[tilespmem:$0x18200] =	vst v63  }
0x30: {  	_ =	swait.ge [sflag:s7], $0x80  }
0x31: {  	[sflag:s7] =	ssyncset.done $0x0  }
0x32: {  	s10 =	rddreg [dreg:$0x4];
	[sflag:s7] =	ssyncadd.s32 $0xFFFFFF80  }
0x33: {  	[tilespmem:s8], [sflag:$0x2] =	stream.linear.gather [hbm4b:s10+s2], $0x80, $0x38;
	[tilespmem:$0x18200] =	vst v63  }
0x34: {  	_ =	swait.ge [sflag:s7], $0x80  }
0x35: {  	[sflag:s7] =	ssyncset.done $0x0  }
0x36: {  	[sflag:s7] =	ssyncadd.s32 $0xFFFFFF80  }
0x37: {  	v3 =	vld [tilespmem:$0x0];
	_ =	sdelay $0x5  }
0x38: {  	v4 =	vld [tilespmem:$0x10]  }
0x39: {  	v5 =	vld [tilespmem:$0x80]  }
0x3a: {  	v3 =	vld.idx.msk [tilespmem:v3+s8+$0x0], $0xffff;
	_ =	sdelay $0x4  }
0x3b: {  	v43 =	vld [tilespmem:$0x20];
	v3 =	vadd.s32 v3, v5  }
0x3c: {  	v44 =	vld [tilespmem:$0x90];
	[tilespmem:$0x180] =	vst v3  }
0x3d: {  	v3 =	vld.idx.msk [tilespmem:v4+s8+$0x0], $0xffff;
	_ =	sdelay $0x4  }
0x3e: {  	v45 =	vld [tilespmem:$0x30];
	v3 =	vadd.s32 v3, v44  }
0x3f: {  	v46 =	vld [tilespmem:$0xA0];
	[tilespmem:$0x190] =	vst v3  }
0x40: {  	v3 =	vld.idx.msk [tilespmem:v43+s8+$0x0], $0xffff;
	_ =	sdelay $0x4  }
0x41: {  	v47 =	vld [tilespmem:$0x40];
	v3 =	vadd.s32 v3, v46  }
0x42: {  	v48 =	vld [tilespmem:$0xB0];
	[tilespmem:$0x1A0] =	vst v3  }
0x43: {  	v3 =	vld.idx.msk [tilespmem:v45+s8+$0x0], $0xffff;
	_ =	sdelay $0x4  }
0x44: {  	v49 =	vld [tilespmem:$0x50];
	v3 =	vadd.s32 v3, v48  }
0x45: {  	v50 =	vld [tilespmem:$0xC0];
	[tilespmem:$0x1B0] =	vst v3  }
0x46: {  	v3 =	vld.idx.msk [tilespmem:v47+s8+$0x0], $0xffff;
	_ =	sdelay $0x4  }
0x47: {  	v51 =	vld [tilespmem:$0x60];
	v3 =	vadd.s32 v3, v50  }
0x48: {  	v52 =	vld [tilespmem:$0xD0];
	[tilespmem:$0x1C0] =	vst v3  }
0x49: {  	v3 =	vld.idx.msk [tilespmem:v49+s8+$0x0], $0xffff;
	_ =	sdelay $0x4  }
0x4a: {  	v53 =	vld [tilespmem:$0x70];
	v3 =	vadd.s32 v3, v52  }
0x4b: {  	v54 =	vld [tilespmem:$0xE0];
	[tilespmem:$0x1D0] =	vst v3  }
0x4c: {  	v3 =	vld.idx.msk [tilespmem:v51+s8+$0x0], $0xffff;
	_ =	sdelay $0x4  }
0x4d: {  	v3 =	vadd.s32 v3, v54  }
0x4e: {  	v55 =	vld [tilespmem:$0xF0];
	[tilespmem:$0x1E0] =	vst v3  }
0x4f: {  	v3 =	vld.idx.msk [tilespmem:v53+s8+$0x0], $0xffff;
	_ =	sdelay $0x4  }
0x50: {  	v3 =	vadd.s32 v3, v55  }
0x51: {  	s10 =	rddreg [dreg:$0x7];
	[tilespmem:$0x1F0] =	vst v3  }
0x52: {  	[tilespmem:s9], [sflag:$0x2] =	stream.linear.gather [hbm4b:s10+s2], $0x18000, $0x38;
	[tilespmem:$0x18200] =	vst v63  }
0x53: {  	_ =	swait.ge [sflag:s7], $0x18000  }
0x54: {  	[sflag:s7] =	ssyncset.done $0x0  }
0x55: {  	[sflag:s7] =	ssyncadd.s32 $0xFFFE8000  }
0x56: {  	v3 =	vld [tilespmem:$0x180];
	_ =	sdelay $0x4  }
0x57: {  	v56 =	vshrl.u32 v3, $0x3  }
0x58: {  	v4 =	vmul.u32 $0x30, v56  }
0x59: {  	v3 =	vand.u32 $0x7, v3  }
0x5a: {  	v3 =	vor.u32 v3, v4  }
0x5b: {  	v4 =	vperm.xlane v3, v0;
	_ =	sdelay $0x1  }
0x5c: {  	v4 =	vadd.s32 v1, v4;
	_ =	sdelay $0x3  }
0x5d: {  	v3 =	vperm.xlane v3, v2  }
0x5e: {  	[hbm4b:s3+s2] =	stream.indirect_vreg.scatter [tilespmem:s9], [sflag:$0x1], $0x80, v4, vm0, $0xb8;
	[tilespmem:$0x18200] =	vst v63  }
0x5f: {  	s1 =	rddreg [dreg:$0xa];
	v3 =	vadd.s32 v1, v3  }
0x60: {  	[hbm4b:s4+s2] =	stream.indirect_vreg.scatter [tilespmem:s1], [sflag:$0x1], $0x80, v4, vm0, $0xb8;
	[tilespmem:$0x18200] =	vst v63  }
0x61: {  	s10 =	rddreg [dreg:$0xb]  }
0x62: {  	[hbm4b:s5+s2] =	stream.indirect_vreg.scatter [tilespmem:s10], [sflag:$0x1], $0x80, v4, vm0, $0xb8;
	[tilespmem:$0x18200] =	vst v63  }
0x63: {  	s1 =	rddreg [dreg:$0xc]  }
0x64: {  	[hbm4b:s3+s2] =	stream.indirect_vreg.scatter [tilespmem:s1], [sflag:$0x1], $0x80, v3, vm0, $0xb8;
	[tilespmem:$0x18200] =	vst v63  }
0x65: {  	s10 =	rddreg [dreg:$0xd]  }
0x66: {  	[hbm4b:s4+s2] =	stream.indirect_vreg.scatter [tilespmem:s10], [sflag:$0x1], $0x80, v3, vm0, $0xb8;
	[tilespmem:$0x18200] =	vst v63  }
0x67: {  	s1 =	rddreg [dreg:$0xe]  }
0x68: {  	[hbm4b:s5+s2] =	stream.indirect_vreg.scatter [tilespmem:s1], [sflag:$0x1], $0x80, v3, vm0, $0xb8;
	[tilespmem:$0x18200] =	vst v63  }
0x69: {  	v3 =	vld [tilespmem:$0x190];
	_ =	sdelay $0x4  }
0x6a: {  	v57 =	vshrl.u32 v3, $0x3  }
0x6b: {  	v4 =	vmul.u32 $0x30, v57  }
0x6c: {  	v3 =	vand.u32 $0x7, v3  }
0x6d: {  	v3 =	vor.u32 v3, v4  }
0x6e: {  	v4 =	vperm.xlane v3, v0;
	_ =	sdelay $0x1  }
0x6f: {  	v4 =	vadd.s32 v1, v4;
	_ =	sdelay $0x3  }
0x70: {  	s1 =	rddreg [dreg:$0xf];
	v3 =	vperm.xlane v3, v2  }
0x71: {  	[hbm4b:s3+s2] =	stream.indirect_vreg.scatter [tilespmem:s1], [sflag:$0x1], $0x80, v4, vm0, $0xb8;
	[tilespmem:$0x18200] =	vst v63  }
0x72: {  	s10 =	rddreg [dreg:$0x10];
	v3 =	vadd.s32 v1, v3  }
0x73: {  	[hbm4b:s4+s2] =	stream.indirect_vreg.scatter [tilespmem:s10], [sflag:$0x1], $0x80, v4, vm0, $0xb8;
	[tilespmem:$0x18200] =	vst v63  }
0x74: {  	s1 =	rddreg [dreg:$0x11]  }
0x75: {  	[hbm4b:s5+s2] =	stream.indirect_vreg.scatter [tilespmem:s1], [sflag:$0x1], $0x80, v4, vm0, $0xb8;
	[tilespmem:$0x18200] =	vst v63  }
0x76: {  	s10 =	rddreg [dreg:$0x12]  }
0x77: {  	[hbm4b:s3+s2] =	stream.indirect_vreg.scatter [tilespmem:s10], [sflag:$0x1], $0x80, v3, vm0, $0xb8;
	[tilespmem:$0x18200] =	vst v63  }
0x78: {  	s1 =	rddreg [dreg:$0x13]  }
0x79: {  	[hbm4b:s4+s2] =	stream.indirect_vreg.scatter [tilespmem:s1], [sflag:$0x1], $0x80, v3, vm0, $0xb8;
	[tilespmem:$0x18200] =	vst v63  }
0x7a: {  	s10 =	rddreg [dreg:$0x14]  }
0x7b: {  	[hbm4b:s5+s2] =	stream.indirect_vreg.scatter [tilespmem:s10], [sflag:$0x1], $0x80, v3, vm0, $0xb8;
	[tilespmem:$0x18200] =	vst v63  }
0x7c: {  	v3 =	vld [tilespmem:$0x1A0];
	_ =	sdelay $0x4  }
0x7d: {  	v58 =	vshrl.u32 v3, $0x3  }
0x7e: {  	v4 =	vmul.u32 $0x30, v58  }
0x7f: {  	v3 =	vand.u32 $0x7, v3  }
0x80: {  	v3 =	vor.u32 v3, v4  }
0x81: {  	v4 =	vperm.xlane v3, v0;
	_ =	sdelay $0x1  }
0x82: {  	v4 =	vadd.s32 v1, v4;
	_ =	sdelay $0x3  }
0x83: {  	s1 =	rddreg [dreg:$0x15];
	v3 =	vperm.xlane v3, v2  }
0x84: {  	[hbm4b:s3+s2] =	stream.indirect_vreg.scatter [tilespmem:s1], [sflag:$0x1], $0x80, v4, vm0, $0xb8;
	[tilespmem:$0x18200] =	vst v63  }
0x85: {  	s10 =	rddreg [dreg:$0x16];
	v3 =	vadd.s32 v1, v3  }
0x86: {  	[hbm4b:s4+s2] =	stream.indirect_vreg.scatter [tilespmem:s10], [sflag:$0x1], $0x80, v4, vm0, $0xb8;
	[tilespmem:$0x18200] =	vst v63  }
0x87: {  	s1 =	rddreg [dreg:$0x17]  }
0x88: {  	[hbm4b:s5+s2] =	stream.indirect_vreg.scatter [tilespmem:s1], [sflag:$0x1], $0x80, v4, vm0, $0xb8;
	[tilespmem:$0x18200] =	vst v63  }
0x89: {  	s10 =	rddreg [dreg:$0x18]  }
0x8a: {  	[hbm4b:s3+s2] =	stream.indirect_vreg.scatter [tilespmem:s10], [sflag:$0x1], $0x80, v3, vm0, $0xb8;
	[tilespmem:$0x18200] =	vst v63  }
0x8b: {  	s1 =	rddreg [dreg:$0x19]  }
0x8c: {  	[hbm4b:s4+s2] =	stream.indirect_vreg.scatter [tilespmem:s1], [sflag:$0x1], $0x80, v3, vm0, $0xb8;
	[tilespmem:$0x18200] =	vst v63  }
0x8d: {  	s10 =	rddreg [dreg:$0x1a]  }
0x8e: {  	[hbm4b:s5+s2] =	stream.indirect_vreg.scatter [tilespmem:s10], [sflag:$0x1], $0x80, v3, vm0, $0xb8;
	[tilespmem:$0x18200] =	vst v63  }
0x8f: {  	v3 =	vld [tilespmem:$0x1B0];
	_ =	sdelay $0x4  }
0x90: {  	v59 =	vshrl.u32 v3, $0x3  }
0x91: {  	v4 =	vmul.u32 $0x30, v59  }
0x92: {  	v3 =	vand.u32 $0x7, v3  }
0x93: {  	v3 =	vor.u32 v3, v4  }
0x94: {  	v4 =	vperm.xlane v3, v0;
	_ =	sdelay $0x1  }
0x95: {  	v4 =	vadd.s32 v1, v4;
	_ =	sdelay $0x2  }
0x96: {  	s1 =	rddreg [dreg:$0x1b]  }
0x97: {  	s10 =	rddreg [dreg:$0x1c];
	v3 =	vperm.xlane v3, v2  }
0x98: {  	[hbm4b:s3+s2] =	stream.indirect_vreg.scatter [tilespmem:s1], [sflag:$0x1], $0x80, v4, vm0, $0xb8;
	[tilespmem:$0x18200] =	vst v63  }
0x99: {  	v3 =	vadd.s32 v1, v3;
	s1 =	rddreg [dreg:$0x1d]  }
0x9a: {  	[hbm4b:s4+s2] =	stream.indirect_vreg.scatter [tilespmem:s10], [sflag:$0x1], $0x80, v4, vm0, $0xb8;
	[tilespmem:$0x18200] =	vst v63  }
0x9b: {  	s10 =	rddreg [dreg:$0x1e]  }
0x9c: {  	[hbm4b:s5+s2] =	stream.indirect_vreg.scatter [tilespmem:s1], [sflag:$0x1], $0x80, v4, vm0, $0xb8;
	[tilespmem:$0x18200] =	vst v63  }
0x9d: {  	s1 =	rddreg [dreg:$0x1f]  }
0x9e: {  	[hbm4b:s3+s2] =	stream.indirect_vreg.scatter [tilespmem:s10], [sflag:$0x1], $0x80, v3, vm0, $0xb8;
	[tilespmem:$0x18200] =	vst v63  }
0x9f: {  	s10 =	sld [smem:$0x7F9]  }
0xa0: {  	[hbm4b:s4+s2] =	stream.indirect_vreg.scatter [tilespmem:s1], [sflag:$0x1], $0x80, v3, vm0, $0xb8;
	[tilespmem:$0x18200] =	vst v63  }
0xa1: {  	_ = 	snop  }
0xa2: {  	[hbm4b:s5+s2] =	stream.indirect_vreg.scatter [tilespmem:s10], [sflag:$0x1], $0x80, v3, vm0, $0xb8;
	[tilespmem:$0x18200] =	vst v63  }
0xa3: {  	v3 =	vld [tilespmem:$0x1C0];
	_ =	sdelay $0x4  }
0xa4: {  	v60 =	vshrl.u32 v3, $0x3  }
0xa5: {  	v4 =	vmul.u32 $0x30, v60  }
0xa6: {  	v3 =	vand.u32 $0x7, v3  }
0xa7: {  	v3 =	vor.u32 v3, v4  }
0xa8: {  	v4 =	vperm.xlane v3, v0;
	_ =	sdelay $0x1  }
0xa9: {  	v4 =	vadd.s32 v1, v4;
	_ =	sdelay $0x1  }
0xaa: {  	s1 =	sld [smem:$0x7FA];
	_ =	sdelay $0x1  }
0xab: {  	s10 =	sld [smem:$0x7FB];
	v3 =	vperm.xlane v3, v2  }
0xac: {  	[hbm4b:s3+s2] =	stream.indirect_vreg.scatter [tilespmem:s1], [sflag:$0x1], $0x80, v4, vm0, $0xb8;
	[tilespmem:$0x18200] =	vst v63  }
0xad: {  	v3 =	vadd.s32 v1, v3;
	s1 =	sld [smem:$0x7FC]  }
0xae: {  	[hbm4b:s4+s2] =	stream.indirect_vreg.scatter [tilespmem:s10], [sflag:$0x1], $0x80, v4, vm0, $0xb8;
	[tilespmem:$0x18200] =	vst v63  }
0xaf: {  	s10 =	sld [smem:$0x7FD]  }
0xb0: {  	[hbm4b:s5+s2] =	stream.indirect_vreg.scatter [tilespmem:s1], [sflag:$0x1], $0x80, v4, vm0, $0xb8;
	[tilespmem:$0x18200] =	vst v63  }
0xb1: {  	_ = 	snop  }
0xb2: {  	[hbm4b:s3+s2] =	stream.indirect_vreg.scatter [tilespmem:s10], [sflag:$0x1], $0x80, v3, vm0, $0xb8;
	[tilespmem:$0x18200] =	vst v63  }
0xb3: {  	s10 =	simm.s32 $0xE200  }
0xb4: {  	[hbm4b:s4+s2] =	stream.indirect_vreg.scatter [tilespmem:s10], [sflag:$0x1], $0x80, v3, vm0, $0xb8;
	[tilespmem:$0x18200] =	vst v63  }
0xb5: {  	_ = 	snop  }
0xb6: {  	[hbm4b:s5+s2] =	stream.indirect_vreg.scatter [tilespmem:s11], [sflag:$0x1], $0x80, v3, vm0, $0xb8;
	[tilespmem:$0x18200] =	vst v63  }
0xb7: {  	v3 =	vld [tilespmem:$0x1D0];
	_ =	sdelay $0x4  }
0xb8: {  	v61 =	vshrl.u32 v3, $0x3  }
0xb9: {  	v4 =	vmul.u32 $0x30, v61  }
0xba: {  	v3 =	vand.u32 $0x7, v3  }
0xbb: {  	v3 =	vor.u32 v3, v4  }
0xbc: {  	v4 =	vperm.xlane v3, v0;
	_ =	sdelay $0x1  }
0xbd: {  	v4 =	vadd.s32 v1, v4;
	_ =	sdelay $0x3  }
0xbe: {  	v3 =	vperm.xlane v3, v2  }
0xbf: {  	[hbm4b:s3+s2] =	stream.indirect_vreg.scatter [tilespmem:s12], [sflag:$0x1], $0x80, v4, vm0, $0xb8;
	[tilespmem:$0x18200] =	vst v63  }
0xc0: {  	v3 =	vadd.s32 v1, v3  }
0xc1: {  	[hbm4b:s4+s2] =	stream.indirect_vreg.scatter [tilespmem:s13], [sflag:$0x1], $0x80, v4, vm0, $0xb8;
	[tilespmem:$0x18200] =	vst v63  }
0xc2: {  	_ = 	snop  }
0xc3: {  	[hbm4b:s5+s2] =	stream.indirect_vreg.scatter [tilespmem:s14], [sflag:$0x1], $0x80, v4, vm0, $0xb8;
	[tilespmem:$0x18200] =	vst v63  }
0xc4: {  	_ = 	snop  }
0xc5: {  	[hbm4b:s3+s2] =	stream.indirect_vreg.scatter [tilespmem:s15], [sflag:$0x1], $0x80, v3, vm0, $0xb8;
	[tilespmem:$0x18200] =	vst v63  }
0xc6: {  	_ = 	snop  }
0xc7: {  	[hbm4b:s4+s2] =	stream.indirect_vreg.scatter [tilespmem:s16], [sflag:$0x1], $0x80, v3, vm0, $0xb8;
	[tilespmem:$0x18200] =	vst v63  }
0xc8: {  	_ = 	snop  }
0xc9: {  	[hbm4b:s5+s2] =	stream.indirect_vreg.scatter [tilespmem:s17], [sflag:$0x1], $0x80, v3, vm0, $0xb8;
	[tilespmem:$0x18200] =	vst v63  }
0xca: {  	v3 =	vld [tilespmem:$0x1E0];
	_ =	sdelay $0x4  }
0xcb: {  	v62 =	vshrl.u32 v3, $0x3  }
0xcc: {  	v4 =	vmul.u32 $0x30, v62  }
0xcd: {  	v3 =	vand.u32 $0x7, v3  }
0xce: {  	v3 =	vor.u32 v3, v4  }
0xcf: {  	v4 =	vperm.xlane v3, v0;
	_ =	sdelay $0x1  }
0xd0: {  	v4 =	vadd.s32 v1, v4;
	_ =	sdelay $0x3  }
0xd1: {  	v3 =	vperm.xlane v3, v2  }
0xd2: {  	[hbm4b:s3+s2] =	stream.indirect_vreg.scatter [tilespmem:s18], [sflag:$0x1], $0x80, v4, vm0, $0xb8;
	[tilespmem:$0x18200] =	vst v63  }
0xd3: {  	v3 =	vadd.s32 v1, v3  }
0xd4: {  	[hbm4b:s4+s2] =	stream.indirect_vreg.scatter [tilespmem:s19], [sflag:$0x1], $0x80, v4, vm0, $0xb8;
	[tilespmem:$0x18200] =	vst v63  }
0xd5: {  	_ = 	snop  }
0xd6: {  	[hbm4b:s5+s2] =	stream.indirect_vreg.scatter [tilespmem:s20], [sflag:$0x1], $0x80, v4, vm0, $0xb8;
	[tilespmem:$0x18200] =	vst v63  }
0xd7: {  	_ = 	snop  }
0xd8: {  	[hbm4b:s3+s2] =	stream.indirect_vreg.scatter [tilespmem:s21], [sflag:$0x1], $0x80, v3, vm0, $0xb8;
	[tilespmem:$0x18200] =	vst v63  }
0xd9: {  	_ = 	snop  }
0xda: {  	[hbm4b:s4+s2] =	stream.indirect_vreg.scatter [tilespmem:s22], [sflag:$0x1], $0x80, v3, vm0, $0xb8;
	[tilespmem:$0x18200] =	vst v63  }
0xdb: {  	_ = 	snop  }
0xdc: {  	[hbm4b:s5+s2] =	stream.indirect_vreg.scatter [tilespmem:s23], [sflag:$0x1], $0x80, v3, vm0, $0xb8;
	[tilespmem:$0x18200] =	vst v63  }
0xdd: {  	v3 =	vld [tilespmem:$0x1F0];
	_ =	sdelay $0x4  }
0xde: {  	v63 =	vshrl.u32 v3, $0x3  }
0xdf: {  	v4 =	vmul.u32 $0x30, v63  }
0xe0: {  	v3 =	vand.u32 $0x7, v3  }
0xe1: {  	v3 =	vor.u32 v3, v4  }
0xe2: {  	v4 =	vperm.xlane v3, v0;
	_ =	sdelay $0x1  }
0xe3: {  	v4 =	vadd.s32 v1, v4;
	_ =	sdelay $0x3  }
0xe4: {  	v3 =	vperm.xlane v3, v2  }
0xe5: {  	[hbm4b:s3+s2] =	stream.indirect_vreg.scatter [tilespmem:s24], [sflag:$0x1], $0x80, v4, vm0, $0xb8;
	[tilespmem:$0x18200] =	vst v63  }
0xe6: {  	v3 =	vadd.s32 v1, v3  }
0xe7: {  	[hbm4b:s4+s2] =	stream.indirect_vreg.scatter [tilespmem:s25], [sflag:$0x1], $0x80, v4, vm0, $0xb8;
	[tilespmem:$0x18200] =	vst v63  }
0xe8: {  	_ = 	snop  }
0xe9: {  	[hbm4b:s5+s2] =	stream.indirect_vreg.scatter [tilespmem:s26], [sflag:$0x1], $0x80, v4, vm0, $0xb8;
	[tilespmem:$0x18200] =	vst v63  }
0xea: {  	_ = 	snop  }
0xeb: {  	[hbm4b:s3+s2] =	stream.indirect_vreg.scatter [tilespmem:s28], [sflag:$0x1], $0x80, v3, vm0, $0xb8;
	[tilespmem:$0x18200] =	vst v63  }
0xec: {  	_ = 	snop  }
0xed: {  	[hbm4b:s4+s2] =	stream.indirect_vreg.scatter [tilespmem:s29], [sflag:$0x1], $0x80, v3, vm0, $0xb8;
	[tilespmem:$0x18200] =	vst v63  }
0xee: {  	_ = 	snop  }
0xef: {  	[hbm4b:s5+s2] =	stream.indirect_vreg.scatter [tilespmem:s30], [sflag:$0x1], $0x80, v3, vm0, $0xb8;
	[tilespmem:$0x18200] =	vst v63  }
0xf0: {  	_ =	swait.ge [sflag:s31], $0x18000  }
0xf1: {  	p0 =	sne.s32 s6, $0x1;
	[sflag:s31] =	ssyncset.done $0x0  }
.Ltmp0:
0xf2: {  	s10 =	rddreg [dreg:$0x8];
	[sflag:s31] =	ssyncadd.s32 $0xFFFE8000;
	(pc) =	sbr.rel @p0 .LBB2_1-.Ltmp0, $4  }
0xf3: {  	[hbm4b:s10+s2] =	stream.linear.scatter [tilespmem:s0], [sflag:$0x2], $0x80, $0x38;
	[tilespmem:$0x18200] =	vst v63  }
0xf4: {  	_ =	swait.ge [sflag:s7], $0x80  }
0xf5: {  	[sflag:s7] =	ssyncset.done $0x0  }
0xf6: {  	s6 =	sadd.s32 $0xFFFFFFFF, s6;
	[sflag:s7] =	ssyncadd.s32 $0xFFFFFF80  }
0xf7: {  	_ =	sfence.sel $0x180000  }
0xf8: {  	[bflag:$0x0] =	sbarrier.arrive $0xFFFF  }
0xf9: {  	_ =	strace $0x90000047  }
0xfa: {  	s0 =	stileid.u32;
	[bflag:$0x2] =	sbarrier.arrive $0xFFFF  }
0xfb: {  	p0 =	sne.s32 s0, $0x0;
	s0 =	rddreg [dreg:$0x3]  }
0xfc: {  	s0 =	sadd.s32 @!p0 $0x100000, s0  }
0xfd: {  	[sflag:s0] =	ssyncadd.tile.s32 @!p0 $0x1;
	_ =	shalt  }
.Lfunc_end2:
_tile_overlayer_lowered:
.L_overlay_start_2:
0xfe: {  	(tag) =	ssettag $0x2  }
0xff: {  	s0 =	rddreg [dreg:$0x0];
	s2 =	stileid.u32  }
0x100: {  	s1 =	rddreg [dreg:$0x1];
	p0 =	sne.s32 s2, $0x0  }
0x101: {  	s3 =	rddreg [dreg:$0x2];
	[bflag:$0x3] =	sbarrier.arrive $0xFFFF;
	s2 =	simm.s32 @!p0 $0x1C02  }
0x102: {  	[timem:s3], [sflag:s2] =	dma.local @!p0 [hbm:s0], s1  }
0x103: {  	s0 =	simm.s32 @!p0 $0x2  }
0x104: {  	_ =	swait.ge @!p0 [sflag:s0], s1  }
0x105: {  	s1 =	ssub.s32 @!p0 $0x0, s1;
	[sflag:s0] =	ssyncset.done @!p0 $0x0  }
0x106: {  	[sflag:s0] =	ssyncadd.s32 @!p0 s1  }
0x107: {  	[bflag:$0x3] =	sbarrier.arrive $0xFFFF  }
0x108: {  	_ =	shalt  }

</sc_bundles>
